<compile_context>
chip_gen: v7x
topology: tpu7x:2x2x1
jax: 0.10.2.dev20260603
libtpu: 0.0.44.dev20260713+nightly
codegen_flags: <defaults>
</compile_context>

<pallas_src>
import functools

import jax
import jax.numpy as jnp
import numpy as np
from jax import lax
from jax.experimental import pallas as pl
from jax.experimental.pallas import tpu as pltpu
from jax.experimental.pallas import tpu_sc as plsc

F = 26
D = 16
B = 4096
V = 3846
NPAIR = F * (F - 1) // 2
NC, NS = 2, 16
NW = NC * NS
DH = D // 2
W = 4096
CB = 512
NU = 2 * NPAIR
UBASE = NU // NW
UEXTRA = NU - UBASE * NW

_mesh = plsc.VectorSubcoreMesh(core_axis_name="c", subcore_axis_name="s")


@functools.partial(
    pl.kernel,
    out_type=jax.ShapeDtypeStruct((NPAIR, D, B), jnp.float32),
    mesh=_mesh,
    compiler_params=pltpu.CompilerParams(
        use_tc_tiling_on_sc=True, needs_layout_passes=False
    ),
    scratch_types=[
        pltpu.VMEM((2, DH, W), jnp.float32),
        pltpu.VMEM((DH, W), jnp.float32),
        pltpu.VMEM((2, DH, CB), jnp.float32),
        pltpu.VMEM((2, CB), jnp.int32),
        pltpu.VMEM((2, CB), jnp.int32),
        pltpu.SemaphoreType.DMA((2,)),
        pltpu.SemaphoreType.DMA,
        pltpu.SemaphoreType.DMA((2,)),
        pltpu.SemaphoreType.DMA((2,)),
    ],
)
def _ffm_sc(xf_hbm, tabT_hbm, out_hbm, BAr, BB, OS, XA, XB, sba, sbb, so, sx):
    wid = lax.axis_index("s") * NC + lax.axis_index("c")
    u0 = wid * UBASE + jnp.minimum(wid, UEXTRA)
    u1 = u0 + UBASE + jnp.where(wid < UEXTRA, 1, 0)
    p0 = u0 // 2

    def tri_body(t, st):
        i0, s = st
        nb = s + (F - 1 - t)
        c = jnp.logical_and(t == i0, nb <= p0)
        return jnp.where(c, t + 1, i0), jnp.where(c, nb, s)

    i0, s0 = lax.fori_loop(0, F - 1, tri_body, (jnp.int32(0), jnp.int32(0)))
    j0 = i0 + 1 + (p0 - s0)

    def fire_a(fi, fj, fh, slot):
        cola = (fi * V // 128) * 128
        pltpu.async_copy(
            tabT_hbm.at[fj, pl.ds(fh * DH, DH), pl.ds(cola, W)],
            BAr.at[slot], sba.at[slot],
        )

    fire_a(i0, j0, u0 % 2, u0 % 2)

    def unit_body(u, carry):
        i, j = carry
        h = lax.rem(u, 2)
        p = u // 2

        colb = (j * V // 128) * 128
        cpb = pltpu.async_copy(
            tabT_hbm.at[i, pl.ds(h * DH, DH), pl.ds(colb, W)], BB, sbb
        )

        adv = j == (F - 1)
        ni = jnp.where(adv, i + 1, i)
        nj = jnp.where(adv, ni + 1, j + 1)
        fi = jnp.where(h == 1, ni, i)
        fj = jnp.where(h == 1, nj, j)

        @pl.when(u + 1 < u1)
        def _():
            fire_a(fi, fj, 1 - h, 1 - h)

        cola = (i * V // 128) * 128
        ra = i * V - cola
        rb = j * V - colb

        pltpu.async_copy(xf_hbm.at[pl.ds(i * B, CB)], XA.at[0], sx.at[0])
        pltpu.async_copy(xf_hbm.at[pl.ds(j * B, CB)], XB.at[0], sx.at[0])

        pltpu.make_async_copy(
            tabT_hbm.at[0, pl.ds(0, DH), pl.ds(0, W)], BAr.at[h], sba.at[h]
        ).wait()
        cpb.wait()

        def sc_body(sc, _):
            slot = lax.rem(sc, 2)
            nxt = lax.rem(sc + 1, 2)

            @pl.when(sc + 1 < B // CB)
            def _():
                pltpu.async_copy(
                    xf_hbm.at[pl.ds(i * B + (sc + 1) * CB, CB)], XA.at[nxt], sx.at[nxt]
                )
                pltpu.async_copy(
                    xf_hbm.at[pl.ds(j * B + (sc + 1) * CB, CB)], XB.at[nxt], sx.at[nxt]
                )

            pltpu.make_async_copy(
                xf_hbm.at[pl.ds(0, CB)], XA.at[slot], sx.at[slot]
            ).wait()
            pltpu.make_async_copy(
                xf_hbm.at[pl.ds(0, CB)], XB.at[slot], sx.at[slot]
            ).wait()

            os = slot
            g = (u - u0) * (B // CB) + sc

            @pl.when(g >= 2)
            def _():
                pltpu.make_async_copy(
                    OS.at[os], out_hbm.at[0, pl.ds(0, DH), pl.ds(0, CB)], so.at[os]
                ).wait()

            @plsc.parallel_loop(0, CB // D, 1, unroll=2)
            def _(s):
                va = XA[slot, pl.ds(s * D, D)] + ra
                vb = XB[slot, pl.ds(s * D, D)] + rb
                for d in range(DH):
                    dv = jnp.full((D,), d, jnp.int32)
                    a = plsc.load_gather(BAr.at[h], [dv, va])
                    b = plsc.load_gather(BB, [dv, vb])
                    OS[os, d, pl.ds(s * D, D)] = a * b

            pltpu.async_copy(
                OS.at[os],
                out_hbm.at[p, pl.ds(h * DH, DH), pl.ds(sc * CB, CB)],
                so.at[os],
            )
            return 0

        lax.fori_loop(0, B // CB, sc_body, 0)

        return jnp.where(h == 1, ni, i), jnp.where(h == 1, nj, j)

    lax.fori_loop(u0, u1, unit_body, (i0, j0))

    for os in range(2):
        pltpu.make_async_copy(
            OS.at[os], out_hbm.at[0, pl.ds(0, DH), pl.ds(0, CB)], so.at[os]
        ).wait()


def kernel(x, tables):
    tabT = jnp.transpose(tables, (0, 2, 1))
    xf = jnp.transpose(x.astype(jnp.int32)).reshape(F * B)
    out3 = _ffm_sc(xf, tabT)
    return jnp.transpose(out3, (2, 0, 1))

# --- scband reference (transcript-rebuilt; emitter-appended) ---
"""Pipeline reference for scband-field-aware-factorization-machine-28991029248073 (READ-ONLY COPY).

The authoritative reference and input builder live on the scoring server;
editing this copy changes nothing except your own understanding.
"""

import jax, jax.numpy as jnp
import numpy as np

FIELD_DIMS = [3846] * 26
EMBED_DIM = 16
BATCH = 4096
NUM_FIELDS = len(FIELD_DIMS)
TOTAL = int(sum(FIELD_DIMS))
OFFSETS = np.array((0, *np.cumsum(FIELD_DIMS)[:-1]), dtype=np.int32)


def setup_inputs(seed: int = 0) -> dict:
    key = jax.random.key(seed)
    kx, kw = jax.random.split(key)
    x = jax.random.randint(kx, (BATCH, NUM_FIELDS), 0, FIELD_DIMS[0], dtype=jnp.int32)
    # xavier_uniform init for each of the num_fields embedding tables,
    # stacked into a single [num_fields, total_vocab, embed_dim] tensor.
    limit = float(np.sqrt(6.0 / (TOTAL + EMBED_DIM)))
    tables = jax.random.uniform(
        kw, (NUM_FIELDS, TOTAL, EMBED_DIM), minval=-limit, maxval=limit, dtype=jnp.float32
    )
    return {"x": x, "tables": tables}


def reference(x, tables):
    # x: int[B, F]; tables: float32[F, V, D]
    xi = x + jnp.asarray(OFFSETS)[None, :]  # offset per field
    # One embedding lookup per field-specific table; each xs[i]: [B, F, D]
    xs = [jnp.take(tables[i], xi, axis=0) for i in range(NUM_FIELDS)]
    # Field-aware pairwise interactions (standard FFM double loop)
    ix = []
    for i in range(NUM_FIELDS - 1):
        for j in range(i + 1, NUM_FIELDS):
            ix.append(xs[j][:, i] * xs[i][:, j])
    return jnp.stack(ix, axis=1)  # [B, F*(F-1)/2, D]

if __name__ == "__main__":
    import jax
    _d = setup_inputs()
    print(jax.jit(kernel)(*tuple(_d.values())))

</pallas_src>

<mosaic_0001>
#map = affine_map<(d0, d1) -> (0)>
#map1 = affine_map<(d0, d1) -> (0, 0, 0)>
module attributes {stable_mosaic.version = 14 : i64} {
  func.func @_ffm_sc(%arg0: i32, %arg1: i32, %arg2: memref<106496xi32, #tpu.memory_space<hbm>>, %arg3: memref<26x16x99996xf32, #tpu.memory_space<hbm>>, %arg4: memref<325x16x4096xf32, #tpu.memory_space<hbm>>, %arg5: memref<2x8x4096xf32, #tpu.memory_space<vmem>>, %arg6: memref<8x4096xf32, #tpu.memory_space<vmem>>, %arg7: memref<2x8x512xf32, #tpu.memory_space<vmem>>, %arg8: memref<2x512xi32, #tpu.memory_space<vmem>>, %arg9: memref<2x512xi32, #tpu.memory_space<vmem>>, %arg10: memref<2x!tpu.dma_semaphore, #tpu.memory_space<semaphore_mem>>, %arg11: memref<!tpu.dma_semaphore, #tpu.memory_space<semaphore_mem>>, %arg12: memref<2x!tpu.dma_semaphore, #tpu.memory_space<semaphore_mem>>, %arg13: memref<2x!tpu.dma_semaphore, #tpu.memory_space<semaphore_mem>>) attributes {dimension_semantics = [#tpu.dimension_semantics<core_parallel>, #tpu.dimension_semantics<subcore_parallel>], iteration_bounds = array<i64: 2, 16>, scalar_prefetch = 0 : i64, scratch_operands = 9 : i64, tpu.core_type = #tpu.core_type<sc_vector_subcore>, window_params = [{transform_indices = #map}, {transform_indices = #map1}, {transform_indices = #map1}]} {
    %mul3A = arith.constant 2 : i32
    %mul3A_0 = arith.muli %arg1, %mul3A : i32
    %add3A = arith.addi %mul3A_0, %arg0 : i32
    %mul3A_1 = arith.constant 20 : i32
    %mul3A_2 = arith.muli %add3A, %mul3A_1 : i32
    %min3A = arith.constant 10 : i32
    %min3A_3 = arith.minsi %add3A, %min3A : i32
    %add3A_4 = arith.addi %mul3A_2, %min3A_3 : i32
    %add3A_5 = arith.constant 20 : i32
    %add3A_6 = arith.addi %add3A_4, %add3A_5 : i32
    %lt3A = arith.constant 10 : i32
    %lt3A_7 = arith.cmpi slt, %add3A, %lt3A : i32
    %jit3A = arith.constant 1 : i32
    %jit3A_8 = arith.constant 0 : i32
    %select_n3A = arith.select %lt3A_7, %jit3A, %jit3A_8 : i32
    %add3A_9 = arith.addi %add3A_6, %select_n3A : i32
    %jit3A_10 = arith.constant 2 : i32
    %div3A = arith.divsi %add3A_4, %jit3A_10 : i32
    %sign3A = arith.constant 0 : i32
    %sign3A_11 = arith.cmpi sgt, %add3A_4, %sign3A : i32
    %sign3A_12 = arith.extui %sign3A_11 : i1 to i32
    %sign3A_13 = arith.constant 0 : i32
    %sign3A_14 = arith.cmpi slt, %add3A_4, %sign3A_13 : i32
    %sign3A_15 = arith.extui %sign3A_14 : i1 to i32
    %sign3A_16 = arith.subi %sign3A_12, %sign3A_15 : i32
    %sign3A_17 = arith.constant 0 : i32
    %sign3A_18 = arith.cmpi sgt, %jit3A_10, %sign3A_17 : i32
    %sign3A_19 = arith.extui %sign3A_18 : i1 to i32
    %sign3A_20 = arith.constant 0 : i32
    %sign3A_21 = arith.cmpi slt, %jit3A_10, %sign3A_20 : i32
    %sign3A_22 = arith.extui %sign3A_21 : i1 to i32
    %sign3A_23 = arith.subi %sign3A_19, %sign3A_22 : i32
    %ne3A = arith.cmpi ne, %sign3A_16, %sign3A_23 : i32
    %rem3A = arith.remsi %add3A_4, %jit3A_10 : i32
    %ne3A_24 = arith.constant 0 : i32
    %ne3A_25 = arith.cmpi ne, %rem3A, %ne3A_24 : i32
    %and3A = arith.andi %ne3A, %ne3A_25 : i1
    %sub3A = arith.constant 1 : i32
    %sub3A_26 = arith.subi %div3A, %sub3A : i32
    %select_n3A_27 = arith.select %and3A, %sub3A_26, %div3A : i32
    %scan3A = arith.constant 0 : i32
    %scan3A_28 = arith.constant 0 : i32
    %scan3A_29 = arith.constant 0 : i32
    %scan3A_30 = arith.constant 25 : i32
    %scan3A_31 = arith.addi %scan3A_29, %scan3A_30 : i32
    %scan3A_32 = arith.constant 1 : i32
    %scan3A_33:2 = scf.for %scan3A_163 = %scan3A_29 to %scan3A_31 step %scan3A_32 iter_args(%scan3A_164 = %scan3A, %scan3A_165 = %scan3A_28) -> (i32, i32)  : i32 {
      %sub3A_166 = arith.constant 25 : i32
      %sub3A_167 = arith.subi %sub3A_166, %scan3A_163 : i32
      %add3A_168 = arith.addi %scan3A_165, %sub3A_167 : i32
      %eq3A_169 = arith.cmpi eq, %scan3A_163, %scan3A_164 : i32
      %le3A = arith.cmpi sle, %add3A_168, %select_n3A_27 : i32
      %and3A_170 = arith.andi %eq3A_169, %le3A : i1
      %add3A_171 = arith.constant 1 : i32
      %add3A_172 = arith.addi %scan3A_163, %add3A_171 : i32
      %select_n3A_173 = arith.select %and3A_170, %add3A_172, %scan3A_164 : i32
      %select_n3A_174 = arith.select %and3A_170, %add3A_168, %scan3A_165 : i32
      scf.yield %select_n3A_173, %select_n3A_174 : i32, i32
    }
    %scan3A_34 = arith.constant 25 : i32
    %add3A_35 = arith.constant 1 : i32
    %add3A_36 = arith.addi %scan3A_33#0, %add3A_35 : i32
    %sub3A_37 = arith.subi %select_n3A_27, %scan3A_33#1 : i32
    %add3A_38 = arith.addi %add3A_36, %sub3A_37 : i32
    %jit3A_39 = arith.constant 2 : i32
    %eq3A = arith.constant 0 : i32
    %eq3A_40 = arith.cmpi eq, %jit3A_39, %eq3A : i32
    %jit3A_41 = arith.constant 1 : i32
    %select_n3A_42 = arith.select %eq3A_40, %jit3A_41, %jit3A_39 : i32
    %rem3A_43 = arith.remsi %add3A_4, %select_n3A_42 : i32
    %ne3A_44 = arith.constant 0 : i32
    %ne3A_45 = arith.cmpi ne, %rem3A_43, %ne3A_44 : i32
    %lt3A_46 = arith.constant 0 : i32
    %lt3A_47 = arith.cmpi slt, %rem3A_43, %lt3A_46 : i32
    %lt3A_48 = arith.constant 0 : i32
    %lt3A_49 = arith.cmpi slt, %select_n3A_42, %lt3A_48 : i32
    %ne3A_50 = arith.xori %lt3A_47, %lt3A_49 : i1
    %and3A_51 = arith.andi %ne3A_50, %ne3A_45 : i1
    %add3A_52 = arith.addi %rem3A_43, %select_n3A_42 : i32
    %select_n3A_53 = arith.select %and3A_51, %add3A_52, %rem3A_43 : i32
    %jit3A_54 = arith.constant 2 : i32
    %eq3A_55 = arith.constant 0 : i32
    %eq3A_56 = arith.cmpi eq, %jit3A_54, %eq3A_55 : i32
    %jit3A_57 = arith.constant 1 : i32
    %select_n3A_58 = arith.select %eq3A_56, %jit3A_57, %jit3A_54 : i32
    %rem3A_59 = arith.remsi %add3A_4, %select_n3A_58 : i32
    %ne3A_60 = arith.constant 0 : i32
    %ne3A_61 = arith.cmpi ne, %rem3A_59, %ne3A_60 : i32
    %lt3A_62 = arith.constant 0 : i32
    %lt3A_63 = arith.cmpi slt, %rem3A_59, %lt3A_62 : i32
    %lt3A_64 = arith.constant 0 : i32
    %lt3A_65 = arith.cmpi slt, %select_n3A_58, %lt3A_64 : i32
    %ne3A_66 = arith.xori %lt3A_63, %lt3A_65 : i1
    %and3A_67 = arith.andi %ne3A_66, %ne3A_61 : i1
    %add3A_68 = arith.addi %rem3A_59, %select_n3A_58 : i32
    %select_n3A_69 = arith.select %and3A_67, %add3A_68, %rem3A_59 : i32
    %mul3A_70 = arith.constant 3846 : i32
    %mul3A_71 = arith.muli %scan3A_33#0, %mul3A_70 : i32
    %jit3A_72 = arith.constant 128 : i32
    %div3A_73 = arith.divsi %mul3A_71, %jit3A_72 : i32
    %sign3A_74 = arith.constant 0 : i32
    %sign3A_75 = arith.cmpi sgt, %mul3A_71, %sign3A_74 : i32
    %sign3A_76 = arith.extui %sign3A_75 : i1 to i32
    %sign3A_77 = arith.constant 0 : i32
    %sign3A_78 = arith.cmpi slt, %mul3A_71, %sign3A_77 : i32
    %sign3A_79 = arith.extui %sign3A_78 : i1 to i32
    %sign3A_80 = arith.subi %sign3A_76, %sign3A_79 : i32
    %sign3A_81 = arith.constant 0 : i32
    %sign3A_82 = arith.cmpi sgt, %jit3A_72, %sign3A_81 : i32
    %sign3A_83 = arith.extui %sign3A_82 : i1 to i32
    %sign3A_84 = arith.constant 0 : i32
    %sign3A_85 = arith.cmpi slt, %jit3A_72, %sign3A_84 : i32
    %sign3A_86 = arith.extui %sign3A_85 : i1 to i32
    %sign3A_87 = arith.subi %sign3A_83, %sign3A_86 : i32
    %ne3A_88 = arith.cmpi ne, %sign3A_80, %sign3A_87 : i32
    %rem3A_89 = arith.remsi %mul3A_71, %jit3A_72 : i32
    %ne3A_90 = arith.constant 0 : i32
    %ne3A_91 = arith.cmpi ne, %rem3A_89, %ne3A_90 : i32
    %and3A_92 = arith.andi %ne3A_88, %ne3A_91 : i1
    %sub3A_93 = arith.constant 1 : i32
    %sub3A_94 = arith.subi %div3A_73, %sub3A_93 : i32
    %select_n3A_95 = arith.select %and3A_92, %sub3A_94, %div3A_73 : i32
    %mul3A_96 = arith.constant 128 : i32
    %mul3A_97 = arith.muli %select_n3A_95, %mul3A_96 : i32
    %mul3A_98 = arith.constant 8 : i32
    %mul3A_99 = arith.muli %select_n3A_53, %mul3A_98 : i32
    %dma_start3A = arith.constant 0 : i32
    %dma_start3A_100 = arith.constant 0 : i32
    %dma_start3A_101 = tpu.memref_slice %arg5[%select_n3A_69, %dma_start3A, %dma_start3A_100] : memref<2x8x4096xf32, #tpu.memory_space<vmem>> -> memref<1x8x4096xf32, #tpu.memory_space<vmem>>
    %dma_start3A_102 = tpu.memref_squeeze %dma_start3A_101 : memref<1x8x4096xf32, #tpu.memory_space<vmem>> -> memref<8x4096xf32, #tpu.memory_space<vmem>>
    %dma_start3A_103 = tpu.memref_slice %arg3[%add3A_38, %mul3A_99, %mul3A_97] : memref<26x16x99996xf32, #tpu.memory_space<hbm>> -> memref<1x8x4096xf32, #tpu.memory_space<hbm>>
    %dma_start3A_104 = tpu.memref_squeeze %dma_start3A_103 : memref<1x8x4096xf32, #tpu.memory_space<hbm>> -> memref<8x4096xf32, #tpu.memory_space<hbm>>
    %dma_start3A_105 = tpu.memref_slice %arg10[%select_n3A_69] : memref<2x!tpu.dma_semaphore, #tpu.memory_space<semaphore_mem>> -> memref<1x!tpu.dma_semaphore, #tpu.memory_space<semaphore_mem>>
    %dma_start3A_106 = tpu.memref_squeeze %dma_start3A_105 : memref<1x!tpu.dma_semaphore, #tpu.memory_space<semaphore_mem>> -> memref<!tpu.dma_semaphore, #tpu.memory_space<semaphore_mem>>
    %dma_start3A_107 = arith.constant 0 : i32
    %dma_start3A_108 = arith.constant 0 : i32
    %dma_start3A_109 = tpu.memref_slice %arg5[%select_n3A_69, %dma_start3A_107, %dma_start3A_108] : memref<2x8x4096xf32, #tpu.memory_space<vmem>> -> memref<1x8x4096xf32, #tpu.memory_space<vmem>>
    %dma_start3A_110 = tpu.memref_squeeze %dma_start3A_109 : memref<1x8x4096xf32, #tpu.memory_space<vmem>> -> memref<8x4096xf32, #tpu.memory_space<vmem>>
    %dma_start3A_111 = tpu.memref_slice %arg3[%add3A_38, %mul3A_99, %mul3A_97] : memref<26x16x99996xf32, #tpu.memory_space<hbm>> -> memref<1x8x4096xf32, #tpu.memory_space<hbm>>
    %dma_start3A_112 = tpu.memref_squeeze %dma_start3A_111 : memref<1x8x4096xf32, #tpu.memory_space<hbm>> -> memref<8x4096xf32, #tpu.memory_space<hbm>>
    tpu.enqueue_dma source(%dma_start3A_112 : memref<8x4096xf32, #tpu.memory_space<hbm>>) target(%dma_start3A_110 : memref<8x4096xf32, #tpu.memory_space<vmem>>) target_semaphore(%dma_start3A_106 : memref<!tpu.dma_semaphore, #tpu.memory_space<semaphore_mem>>)
    %while3A = arith.subi %add3A_9, %add3A_4 : i32
    %while3A_113 = arith.addi %add3A_4, %while3A : i32
    %while3A_114 = arith.constant 1 : i32
    %while3A_115 = arith.divsi %while3A, %while3A_114 : i32
    %while3A_116 = arith.muli %while3A_115, %while3A_114 : i32
    %while3A_117 = arith.addi %add3A_4, %while3A_116 : i32
    %while3A_118 = arith.constant 1 : i32
    %while3A_119:2 = scf.for %while3A_163 = %add3A_4 to %while3A_117 step %while3A_118 iter_args(%while3A_164 = %scan3A_33#0, %while3A_165 = %add3A_38) -> (i32, i32)  : i32 {
      %rem3A_166 = arith.constant 2 : i32
      %rem3A_167 = arith.remsi %while3A_163, %rem3A_166 : i32
      %jit3A_168 = arith.constant 2 : i32
      %div3A_169 = arith.divsi %while3A_163, %jit3A_168 : i32
      %sign3A_170 = arith.constant 0 : i32
      %sign3A_171 = arith.cmpi sgt, %while3A_163, %sign3A_170 : i32
      %sign3A_172 = arith.extui %sign3A_171 : i1 to i32
      %sign3A_173 = arith.constant 0 : i32
      %sign3A_174 = arith.cmpi slt, %while3A_163, %sign3A_173 : i32
      %sign3A_175 = arith.extui %sign3A_174 : i1 to i32
      %sign3A_176 = arith.subi %sign3A_172, %sign3A_175 : i32
      %sign3A_177 = arith.constant 0 : i32
      %sign3A_178 = arith.cmpi sgt, %jit3A_168, %sign3A_177 : i32
      %sign3A_179 = arith.extui %sign3A_178 : i1 to i32
      %sign3A_180 = arith.constant 0 : i32
      %sign3A_181 = arith.cmpi slt, %jit3A_168, %sign3A_180 : i32
      %sign3A_182 = arith.extui %sign3A_181 : i1 to i32
      %sign3A_183 = arith.subi %sign3A_179, %sign3A_182 : i32
      %ne3A_184 = arith.cmpi ne, %sign3A_176, %sign3A_183 : i32
      %rem3A_185 = arith.remsi %while3A_163, %jit3A_168 : i32
      %ne3A_186 = arith.constant 0 : i32
      %ne3A_187 = arith.cmpi ne, %rem3A_185, %ne3A_186 : i32
      %and3A_188 = arith.andi %ne3A_184, %ne3A_187 : i1
      %sub3A_189 = arith.constant 1 : i32
      %sub3A_190 = arith.subi %div3A_169, %sub3A_189 : i32
      %select_n3A_191 = arith.select %and3A_188, %sub3A_190, %div3A_169 : i32
      %mul3A_192 = arith.constant 3846 : i32
      %mul3A_193 = arith.muli %while3A_165, %mul3A_192 : i32
      %jit3A_194 = arith.constant 128 : i32
      %div3A_195 = arith.divsi %mul3A_193, %jit3A_194 : i32
      %sign3A_196 = arith.constant 0 : i32
      %sign3A_197 = arith.cmpi sgt, %mul3A_193, %sign3A_196 : i32
      %sign3A_198 = arith.extui %sign3A_197 : i1 to i32
      %sign3A_199 = arith.constant 0 : i32
      %sign3A_200 = arith.cmpi slt, %mul3A_193, %sign3A_199 : i32
      %sign3A_201 = arith.extui %sign3A_200 : i1 to i32
      %sign3A_202 = arith.subi %sign3A_198, %sign3A_201 : i32
      %sign3A_203 = arith.constant 0 : i32
      %sign3A_204 = arith.cmpi sgt, %jit3A_194, %sign3A_203 : i32
      %sign3A_205 = arith.extui %sign3A_204 : i1 to i32
      %sign3A_206 = arith.constant 0 : i32
      %sign3A_207 = arith.cmpi slt, %jit3A_194, %sign3A_206 : i32
      %sign3A_208 = arith.extui %sign3A_207 : i1 to i32
      %sign3A_209 = arith.subi %sign3A_205, %sign3A_208 : i32
      %ne3A_210 = arith.cmpi ne, %sign3A_202, %sign3A_209 : i32
      %rem3A_211 = arith.remsi %mul3A_193, %jit3A_194 : i32
      %ne3A_212 = arith.constant 0 : i32
      %ne3A_213 = arith.cmpi ne, %rem3A_211, %ne3A_212 : i32
      %and3A_214 = arith.andi %ne3A_210, %ne3A_213 : i1
      %sub3A_215 = arith.constant 1 : i32
      %sub3A_216 = arith.subi %div3A_195, %sub3A_215 : i32
      %select_n3A_217 = arith.select %and3A_214, %sub3A_216, %div3A_195 : i32
      %mul3A_218 = arith.constant 128 : i32
      %mul3A_219 = arith.muli %select_n3A_217, %mul3A_218 : i32
      %mul3A_220 = arith.constant 8 : i32
      %mul3A_221 = arith.muli %rem3A_167, %mul3A_220 : i32
      %dma_start3A_222 = tpu.memref_slice %arg3[%while3A_164, %mul3A_221, %mul3A_219] : memref<26x16x99996xf32, #tpu.memory_space<hbm>> -> memref<1x8x4096xf32, #tpu.memory_space<hbm>>
      %dma_start3A_223 = tpu.memref_squeeze %dma_start3A_222 : memref<1x8x4096xf32, #tpu.memory_space<hbm>> -> memref<8x4096xf32, #tpu.memory_space<hbm>>
      %dma_start3A_224 = tpu.memref_slice %arg3[%while3A_164, %mul3A_221, %mul3A_219] : memref<26x16x99996xf32, #tpu.memory_space<hbm>> -> memref<1x8x4096xf32, #tpu.memory_space<hbm>>
      %dma_start3A_225 = tpu.memref_squeeze %dma_start3A_224 : memref<1x8x4096xf32, #tpu.memory_space<hbm>> -> memref<8x4096xf32, #tpu.memory_space<hbm>>
      tpu.enqueue_dma source(%dma_start3A_225 : memref<8x4096xf32, #tpu.memory_space<hbm>>) target(%arg6 : memref<8x4096xf32, #tpu.memory_space<vmem>>) target_semaphore(%arg11 : memref<!tpu.dma_semaphore, #tpu.memory_space<semaphore_mem>>)
      %eq3A_226 = arith.constant 25 : i32
      %eq3A_227 = arith.cmpi eq, %while3A_165, %eq3A_226 : i32
      %add3A_228 = arith.constant 1 : i32
      %add3A_229 = arith.addi %while3A_164, %add3A_228 : i32
      %select_n3A_230 = arith.select %eq3A_227, %add3A_229, %while3A_164 : i32
      %add3A_231 = arith.constant 1 : i32
      %add3A_232 = arith.addi %select_n3A_230, %add3A_231 : i32
      %add3A_233 = arith.constant 1 : i32
      %add3A_234 = arith.addi %while3A_165, %add3A_233 : i32
      %select_n3A_235 = arith.select %eq3A_227, %add3A_232, %add3A_234 : i32
      %eq3A_236 = arith.constant 1 : i32
      %eq3A_237 = arith.cmpi eq, %rem3A_167, %eq3A_236 : i32
      %select_n3A_238 = arith.select %eq3A_237, %select_n3A_230, %while3A_164 : i32
      %eq3A_239 = arith.constant 1 : i32
      %eq3A_240 = arith.cmpi eq, %rem3A_167, %eq3A_239 : i32
      %select_n3A_241 = arith.select %eq3A_240, %select_n3A_235, %while3A_165 : i32
      %add3A_242 = arith.constant 1 : i32
      %add3A_243 = arith.addi %while3A_163, %add3A_242 : i32
      %lt3A_244 = arith.cmpi slt, %add3A_243, %add3A_9 : i32
      %convert_element_type3A = arith.extui %lt3A_244 : i1 to i32
      %cond3A = arith.constant 0 : i32
      %cond3A_245 = arith.cmpi ne, %convert_element_type3A, %cond3A : i32
      scf.if %cond3A_245 {
        %sub3A_344 = arith.constant 1 : i32
        %sub3A_345 = arith.subi %sub3A_344, %rem3A_167 : i32
        %sub3A_346 = arith.constant 1 : i32
        %sub3A_347 = arith.subi %sub3A_346, %rem3A_167 : i32
        %mul3A_348 = arith.constant 3846 : i32
        %mul3A_349 = arith.muli %select_n3A_238, %mul3A_348 : i32
        %jit3A_350 = arith.constant 128 : i32
        %div3A_351 = arith.divsi %mul3A_349, %jit3A_350 : i32
        %sign3A_352 = arith.constant 0 : i32
        %sign3A_353 = arith.cmpi sgt, %mul3A_349, %sign3A_352 : i32
        %sign3A_354 = arith.extui %sign3A_353 : i1 to i32
        %sign3A_355 = arith.constant 0 : i32
        %sign3A_356 = arith.cmpi slt, %mul3A_349, %sign3A_355 : i32
        %sign3A_357 = arith.extui %sign3A_356 : i1 to i32
        %sign3A_358 = arith.subi %sign3A_354, %sign3A_357 : i32
        %sign3A_359 = arith.constant 0 : i32
        %sign3A_360 = arith.cmpi sgt, %jit3A_350, %sign3A_359 : i32
        %sign3A_361 = arith.extui %sign3A_360 : i1 to i32
        %sign3A_362 = arith.constant 0 : i32
        %sign3A_363 = arith.cmpi slt, %jit3A_350, %sign3A_362 : i32
        %sign3A_364 = arith.extui %sign3A_363 : i1 to i32
        %sign3A_365 = arith.subi %sign3A_361, %sign3A_364 : i32
        %ne3A_366 = arith.cmpi ne, %sign3A_358, %sign3A_365 : i32
        %rem3A_367 = arith.remsi %mul3A_349, %jit3A_350 : i32
        %ne3A_368 = arith.constant 0 : i32
        %ne3A_369 = arith.cmpi ne, %rem3A_367, %ne3A_368 : i32
        %and3A_370 = arith.andi %ne3A_366, %ne3A_369 : i1
        %sub3A_371 = arith.constant 1 : i32
        %sub3A_372 = arith.subi %div3A_351, %sub3A_371 : i32
        %select_n3A_373 = arith.select %and3A_370, %sub3A_372, %div3A_351 : i32
        %mul3A_374 = arith.constant 128 : i32
        %mul3A_375 = arith.muli %select_n3A_373, %mul3A_374 : i32
        %mul3A_376 = arith.constant 8 : i32
        %mul3A_377 = arith.muli %sub3A_345, %mul3A_376 : i32
        %dma_start3A_378 = arith.constant 0 : i32
        %dma_start3A_379 = arith.constant 0 : i32
        %dma_start3A_380 = tpu.memref_slice %arg5[%sub3A_347, %dma_start3A_378, %dma_start3A_379] : memref<2x8x4096xf32, #tpu.memory_space<vmem>> -> memref<1x8x4096xf32, #tpu.memory_space<vmem>>
        %dma_start3A_381 = tpu.memref_squeeze %dma_start3A_380 : memref<1x8x4096xf32, #tpu.memory_space<vmem>> -> memref<8x4096xf32, #tpu.memory_space<vmem>>
        %dma_start3A_382 = tpu.memref_slice %arg3[%select_n3A_241, %mul3A_377, %mul3A_375] : memref<26x16x99996xf32, #tpu.memory_space<hbm>> -> memref<1x8x4096xf32, #tpu.memory_space<hbm>>
        %dma_start3A_383 = tpu.memref_squeeze %dma_start3A_382 : memref<1x8x4096xf32, #tpu.memory_space<hbm>> -> memref<8x4096xf32, #tpu.memory_space<hbm>>
        %dma_start3A_384 = tpu.memref_slice %arg10[%sub3A_347] : memref<2x!tpu.dma_semaphore, #tpu.memory_space<semaphore_mem>> -> memref<1x!tpu.dma_semaphore, #tpu.memory_space<semaphore_mem>>
        %dma_start3A_385 = tpu.memref_squeeze %dma_start3A_384 : memref<1x!tpu.dma_semaphore, #tpu.memory_space<semaphore_mem>> -> memref<!tpu.dma_semaphore, #tpu.memory_space<semaphore_mem>>
        %dma_start3A_386 = arith.constant 0 : i32
        %dma_start3A_387 = arith.constant 0 : i32
        %dma_start3A_388 = tpu.memref_slice %arg5[%sub3A_347, %dma_start3A_386, %dma_start3A_387] : memref<2x8x4096xf32, #tpu.memory_space<vmem>> -> memref<1x8x4096xf32, #tpu.memory_space<vmem>>
        %dma_start3A_389 = tpu.memref_squeeze %dma_start3A_388 : memref<1x8x4096xf32, #tpu.memory_space<vmem>> -> memref<8x4096xf32, #tpu.memory_space<vmem>>
        %dma_start3A_390 = tpu.memref_slice %arg3[%select_n3A_241, %mul3A_377, %mul3A_375] : memref<26x16x99996xf32, #tpu.memory_space<hbm>> -> memref<1x8x4096xf32, #tpu.memory_space<hbm>>
        %dma_start3A_391 = tpu.memref_squeeze %dma_start3A_390 : memref<1x8x4096xf32, #tpu.memory_space<hbm>> -> memref<8x4096xf32, #tpu.memory_space<hbm>>
        tpu.enqueue_dma source(%dma_start3A_391 : memref<8x4096xf32, #tpu.memory_space<hbm>>) target(%dma_start3A_389 : memref<8x4096xf32, #tpu.memory_space<vmem>>) target_semaphore(%dma_start3A_385 : memref<!tpu.dma_semaphore, #tpu.memory_space<semaphore_mem>>)
      } else {
      }
      %mul3A_246 = arith.constant 3846 : i32
      %mul3A_247 = arith.muli %while3A_164, %mul3A_246 : i32
      %jit3A_248 = arith.constant 128 : i32
      %div3A_249 = arith.divsi %mul3A_247, %jit3A_248 : i32
      %sign3A_250 = arith.constant 0 : i32
      %sign3A_251 = arith.cmpi sgt, %mul3A_247, %sign3A_250 : i32
      %sign3A_252 = arith.extui %sign3A_251 : i1 to i32
      %sign3A_253 = arith.constant 0 : i32
      %sign3A_254 = arith.cmpi slt, %mul3A_247, %sign3A_253 : i32
      %sign3A_255 = arith.extui %sign3A_254 : i1 to i32
      %sign3A_256 = arith.subi %sign3A_252, %sign3A_255 : i32
      %sign3A_257 = arith.constant 0 : i32
      %sign3A_258 = arith.cmpi sgt, %jit3A_248, %sign3A_257 : i32
      %sign3A_259 = arith.extui %sign3A_258 : i1 to i32
      %sign3A_260 = arith.constant 0 : i32
      %sign3A_261 = arith.cmpi slt, %jit3A_248, %sign3A_260 : i32
      %sign3A_262 = arith.extui %sign3A_261 : i1 to i32
      %sign3A_263 = arith.subi %sign3A_259, %sign3A_262 : i32
      %ne3A_264 = arith.cmpi ne, %sign3A_256, %sign3A_263 : i32
      %rem3A_265 = arith.remsi %mul3A_247, %jit3A_248 : i32
      %ne3A_266 = arith.constant 0 : i32
      %ne3A_267 = arith.cmpi ne, %rem3A_265, %ne3A_266 : i32
      %and3A_268 = arith.andi %ne3A_264, %ne3A_267 : i1
      %sub3A_269 = arith.constant 1 : i32
      %sub3A_270 = arith.subi %div3A_249, %sub3A_269 : i32
      %select_n3A_271 = arith.select %and3A_268, %sub3A_270, %div3A_249 : i32
      %mul3A_272 = arith.constant 128 : i32
      %mul3A_273 = arith.muli %select_n3A_271, %mul3A_272 : i32
      %mul3A_274 = arith.constant 3846 : i32
      %mul3A_275 = arith.muli %while3A_164, %mul3A_274 : i32
      %sub3A_276 = arith.subi %mul3A_275, %mul3A_273 : i32
      %mul3A_277 = arith.constant 3846 : i32
      %mul3A_278 = arith.muli %while3A_165, %mul3A_277 : i32
      %sub3A_279 = arith.subi %mul3A_278, %mul3A_219 : i32
      %mul3A_280 = arith.constant 4096 : i32
      %mul3A_281 = arith.muli %while3A_164, %mul3A_280 : i32
      %dma_start3A_282 = arith.constant 0 : i32
      %dma_start3A_283 = arith.constant 0 : i32
      %dma_start3A_284 = arith.constant 0 : i32
      %dma_start3A_285 = tpu.memref_slice %arg8[%dma_start3A_282, %dma_start3A_284] : memref<2x512xi32, #tpu.memory_space<vmem>> -> memref<1x512xi32, #tpu.memory_space<vmem>>
      %dma_start3A_286 = tpu.memref_squeeze %dma_start3A_285 : memref<1x512xi32, #tpu.memory_space<vmem>> -> memref<512xi32, #tpu.memory_space<vmem>>
      %dma_start3A_287 = tpu.memref_slice %arg2[%mul3A_281] : memref<106496xi32, #tpu.memory_space<hbm>> -> memref<512xi32, #tpu.memory_space<hbm>>
      %dma_start3A_288 = tpu.memref_slice %arg13[%dma_start3A_283] : memref<2x!tpu.dma_semaphore, #tpu.memory_space<semaphore_mem>> -> memref<1x!tpu.dma_semaphore, #tpu.memory_space<semaphore_mem>>
      %dma_start3A_289 = tpu.memref_squeeze %dma_start3A_288 : memref<1x!tpu.dma_semaphore, #tpu.memory_space<semaphore_mem>> -> memref<!tpu.dma_semaphore, #tpu.memory_space<semaphore_mem>>
      %dma_start3A_290 = arith.constant 0 : i32
      %dma_start3A_291 = tpu.memref_slice %arg8[%dma_start3A_282, %dma_start3A_290] : memref<2x512xi32, #tpu.memory_space<vmem>> -> memref<1x512xi32, #tpu.memory_space<vmem>>
      %dma_start3A_292 = tpu.memref_squeeze %dma_start3A_291 : memref<1x512xi32, #tpu.memory_space<vmem>> -> memref<512xi32, #tpu.memory_space<vmem>>
      %dma_start3A_293 = tpu.memref_slice %arg2[%mul3A_281] : memref<106496xi32, #tpu.memory_space<hbm>> -> memref<512xi32, #tpu.memory_space<hbm>>
      tpu.enqueue_dma source(%dma_start3A_293 : memref<512xi32, #tpu.memory_space<hbm>>) target(%dma_start3A_292 : memref<512xi32, #tpu.memory_space<vmem>>) target_semaphore(%dma_start3A_289 : memref<!tpu.dma_semaphore, #tpu.memory_space<semaphore_mem>>)
      %mul3A_294 = arith.constant 4096 : i32
      %mul3A_295 = arith.muli %while3A_165, %mul3A_294 : i32
      %dma_start3A_296 = arith.constant 0 : i32
      %dma_start3A_297 = arith.constant 0 : i32
      %dma_start3A_298 = arith.constant 0 : i32
      %dma_start3A_299 = tpu.memref_slice %arg9[%dma_start3A_296, %dma_start3A_298] : memref<2x512xi32, #tpu.memory_space<vmem>> -> memref<1x512xi32, #tpu.memory_space<vmem>>
      %dma_start3A_300 = tpu.memref_squeeze %dma_start3A_299 : memref<1x512xi32, #tpu.memory_space<vmem>> -> memref<512xi32, #tpu.memory_space<vmem>>
      %dma_start3A_301 = tpu.memref_slice %arg2[%mul3A_295] : memref<106496xi32, #tpu.memory_space<hbm>> -> memref<512xi32, #tpu.memory_space<hbm>>
      %dma_start3A_302 = tpu.memref_slice %arg13[%dma_start3A_297] : memref<2x!tpu.dma_semaphore, #tpu.memory_space<semaphore_mem>> -> memref<1x!tpu.dma_semaphore, #tpu.memory_space<semaphore_mem>>
      %dma_start3A_303 = tpu.memref_squeeze %dma_start3A_302 : memref<1x!tpu.dma_semaphore, #tpu.memory_space<semaphore_mem>> -> memref<!tpu.dma_semaphore, #tpu.memory_space<semaphore_mem>>
      %dma_start3A_304 = arith.constant 0 : i32
      %dma_start3A_305 = tpu.memref_slice %arg9[%dma_start3A_296, %dma_start3A_304] : memref<2x512xi32, #tpu.memory_space<vmem>> -> memref<1x512xi32, #tpu.memory_space<vmem>>
      %dma_start3A_306 = tpu.memref_squeeze %dma_start3A_305 : memref<1x512xi32, #tpu.memory_space<vmem>> -> memref<512xi32, #tpu.memory_space<vmem>>
      %dma_start3A_307 = tpu.memref_slice %arg2[%mul3A_295] : memref<106496xi32, #tpu.memory_space<hbm>> -> memref<512xi32, #tpu.memory_space<hbm>>
      tpu.enqueue_dma source(%dma_start3A_307 : memref<512xi32, #tpu.memory_space<hbm>>) target(%dma_start3A_306 : memref<512xi32, #tpu.memory_space<vmem>>) target_semaphore(%dma_start3A_303 : memref<!tpu.dma_semaphore, #tpu.memory_space<semaphore_mem>>)
      %dma_wait3A_308 = arith.constant 0 : i32
      %dma_wait3A_309 = arith.constant 0 : i32
      %dma_wait3A_310 = arith.constant 0 : i32
      %dma_wait3A_311 = tpu.memref_slice %arg5[%rem3A_167, %dma_wait3A_309, %dma_wait3A_310] : memref<2x8x4096xf32, #tpu.memory_space<vmem>> -> memref<1x8x4096xf32, #tpu.memory_space<vmem>>
      %dma_wait3A_312 = tpu.memref_squeeze %dma_wait3A_311 : memref<1x8x4096xf32, #tpu.memory_space<vmem>> -> memref<8x4096xf32, #tpu.memory_space<vmem>>
      %dma_wait3A_313 = arith.constant 0 : i32
      %dma_wait3A_314 = arith.constant 0 : i32
      %dma_wait3A_315 = tpu.memref_slice %arg3[%dma_wait3A_308, %dma_wait3A_313, %dma_wait3A_314] : memref<26x16x99996xf32, #tpu.memory_space<hbm>> -> memref<1x8x4096xf32, #tpu.memory_space<hbm>>
      %dma_wait3A_316 = tpu.memref_squeeze %dma_wait3A_315 : memref<1x8x4096xf32, #tpu.memory_space<hbm>> -> memref<8x4096xf32, #tpu.memory_space<hbm>>
      %dma_wait3A_317 = tpu.memref_slice %arg10[%rem3A_167] : memref<2x!tpu.dma_semaphore, #tpu.memory_space<semaphore_mem>> -> memref<1x!tpu.dma_semaphore, #tpu.memory_space<semaphore_mem>>
      %dma_wait3A_318 = tpu.memref_squeeze %dma_wait3A_317 : memref<1x!tpu.dma_semaphore, #tpu.memory_space<semaphore_mem>> -> memref<!tpu.dma_semaphore, #tpu.memory_space<semaphore_mem>>
      %dma_wait3A_319 = arith.constant 0 : i32
      %dma_wait3A_320 = arith.constant 0 : i32
      %dma_wait3A_321 = tpu.memref_slice %arg5[%rem3A_167, %dma_wait3A_319, %dma_wait3A_320] : memref<2x8x4096xf32, #tpu.memory_space<vmem>> -> memref<1x8x4096xf32, #tpu.memory_space<vmem>>
      %dma_wait3A_322 = tpu.memref_squeeze %dma_wait3A_321 : memref<1x8x4096xf32, #tpu.memory_space<vmem>> -> memref<8x4096xf32, #tpu.memory_space<vmem>>
      %dma_wait3A_323 = arith.constant 0 : i32
      %dma_wait3A_324 = arith.constant 0 : i32
      %dma_wait3A_325 = tpu.memref_slice %arg3[%dma_wait3A_308, %dma_wait3A_323, %dma_wait3A_324] : memref<26x16x99996xf32, #tpu.memory_space<hbm>> -> memref<1x8x4096xf32, #tpu.memory_space<hbm>>
      %dma_wait3A_326 = tpu.memref_squeeze %dma_wait3A_325 : memref<1x8x4096xf32, #tpu.memory_space<hbm>> -> memref<8x4096xf32, #tpu.memory_space<hbm>>
      tpu.wait_dma2 semaphore(%dma_wait3A_318 : memref<!tpu.dma_semaphore, #tpu.memory_space<semaphore_mem>>) src(%dma_wait3A_326 : memref<8x4096xf32, #tpu.memory_space<hbm>>) dst(%dma_wait3A_322 : memref<8x4096xf32, #tpu.memory_space<vmem>>)
      %dma_wait3A_327 = tpu.memref_slice %arg3[%while3A_164, %mul3A_221, %mul3A_219] : memref<26x16x99996xf32, #tpu.memory_space<hbm>> -> memref<1x8x4096xf32, #tpu.memory_space<hbm>>
      %dma_wait3A_328 = tpu.memref_squeeze %dma_wait3A_327 : memref<1x8x4096xf32, #tpu.memory_space<hbm>> -> memref<8x4096xf32, #tpu.memory_space<hbm>>
      %dma_wait3A_329 = tpu.memref_slice %arg3[%while3A_164, %mul3A_221, %mul3A_219] : memref<26x16x99996xf32, #tpu.memory_space<hbm>> -> memref<1x8x4096xf32, #tpu.memory_space<hbm>>
      %dma_wait3A_330 = tpu.memref_squeeze %dma_wait3A_329 : memref<1x8x4096xf32, #tpu.memory_space<hbm>> -> memref<8x4096xf32, #tpu.memory_space<hbm>>
      tpu.wait_dma2 semaphore(%arg11 : memref<!tpu.dma_semaphore, #tpu.memory_space<semaphore_mem>>) src(%dma_wait3A_330 : memref<8x4096xf32, #tpu.memory_space<hbm>>) dst(%arg6 : memref<8x4096xf32, #tpu.memory_space<vmem>>)
      %scan3A_331 = arith.constant 0 : i32
      %scan3A_332 = arith.constant 0 : i32
      %scan3A_333 = arith.constant 8 : i32
      %scan3A_334 = arith.addi %scan3A_332, %scan3A_333 : i32
      %scan3A_335 = arith.constant 1 : i32
      %scan3A_336 = scf.for %scan3A_344 = %scan3A_332 to %scan3A_334 step %scan3A_335 iter_args(%scan3A_345 = %scan3A_331) -> (i32)  : i32 {
        %rem3A_346 = arith.constant 2 : i32
        %rem3A_347 = arith.remsi %scan3A_344, %rem3A_346 : i32
        %add3A_348 = arith.constant 1 : i32
        %add3A_349 = arith.addi %scan3A_344, %add3A_348 : i32
        %rem3A_350 = arith.constant 2 : i32
        %rem3A_351 = arith.remsi %add3A_349, %rem3A_350 : i32
        %add3A_352 = arith.constant 1 : i32
        %add3A_353 = arith.addi %scan3A_344, %add3A_352 : i32
        %lt3A_354 = arith.constant 8 : i32
        %lt3A_355 = arith.cmpi slt, %add3A_353, %lt3A_354 : i32
        %convert_element_type3A_356 = arith.extui %lt3A_355 : i1 to i32
        %cond3A_357 = arith.constant 0 : i32
        %cond3A_358 = arith.cmpi ne, %convert_element_type3A_356, %cond3A_357 : i32
        scf.if %cond3A_358 {
          %mul3A_412 = arith.constant 4096 : i32
          %mul3A_413 = arith.muli %while3A_164, %mul3A_412 : i32
          %add3A_414 = arith.constant 1 : i32
          %add3A_415 = arith.addi %scan3A_344, %add3A_414 : i32
          %mul3A_416 = arith.constant 512 : i32
          %mul3A_417 = arith.muli %add3A_415, %mul3A_416 : i32
          %add3A_418 = arith.addi %mul3A_413, %mul3A_417 : i32
          %dma_start3A_419 = arith.constant 0 : i32
          %dma_start3A_420 = tpu.memref_slice %arg8[%rem3A_351, %dma_start3A_419] : memref<2x512xi32, #tpu.memory_space<vmem>> -> memref<1x512xi32, #tpu.memory_space<vmem>>
          %dma_start3A_421 = tpu.memref_squeeze %dma_start3A_420 : memref<1x512xi32, #tpu.memory_space<vmem>> -> memref<512xi32, #tpu.memory_space<vmem>>
          %dma_start3A_422 = tpu.memref_slice %arg2[%add3A_418] : memref<106496xi32, #tpu.memory_space<hbm>> -> memref<512xi32, #tpu.memory_space<hbm>>
          %dma_start3A_423 = tpu.memref_slice %arg13[%rem3A_351] : memref<2x!tpu.dma_semaphore, #tpu.memory_space<semaphore_mem>> -> memref<1x!tpu.dma_semaphore, #tpu.memory_space<semaphore_mem>>
          %dma_start3A_424 = tpu.memref_squeeze %dma_start3A_423 : memref<1x!tpu.dma_semaphore, #tpu.memory_space<semaphore_mem>> -> memref<!tpu.dma_semaphore, #tpu.memory_space<semaphore_mem>>
          %dma_start3A_425 = arith.constant 0 : i32
          %dma_start3A_426 = tpu.memref_slice %arg8[%rem3A_351, %dma_start3A_425] : memref<2x512xi32, #tpu.memory_space<vmem>> -> memref<1x512xi32, #tpu.memory_space<vmem>>
          %dma_start3A_427 = tpu.memref_squeeze %dma_start3A_426 : memref<1x512xi32, #tpu.memory_space<vmem>> -> memref<512xi32, #tpu.memory_space<vmem>>
          %dma_start3A_428 = tpu.memref_slice %arg2[%add3A_418] : memref<106496xi32, #tpu.memory_space<hbm>> -> memref<512xi32, #tpu.memory_space<hbm>>
          tpu.enqueue_dma source(%dma_start3A_428 : memref<512xi32, #tpu.memory_space<hbm>>) target(%dma_start3A_427 : memref<512xi32, #tpu.memory_space<vmem>>) target_semaphore(%dma_start3A_424 : memref<!tpu.dma_semaphore, #tpu.memory_space<semaphore_mem>>)
          %mul3A_429 = arith.constant 4096 : i32
          %mul3A_430 = arith.muli %while3A_165, %mul3A_429 : i32
          %add3A_431 = arith.constant 1 : i32
          %add3A_432 = arith.addi %scan3A_344, %add3A_431 : i32
          %mul3A_433 = arith.constant 512 : i32
          %mul3A_434 = arith.muli %add3A_432, %mul3A_433 : i32
          %add3A_435 = arith.addi %mul3A_430, %mul3A_434 : i32
          %dma_start3A_436 = arith.constant 0 : i32
          %dma_start3A_437 = tpu.memref_slice %arg9[%rem3A_351, %dma_start3A_436] : memref<2x512xi32, #tpu.memory_space<vmem>> -> memref<1x512xi32, #tpu.memory_space<vmem>>
          %dma_start3A_438 = tpu.memref_squeeze %dma_start3A_437 : memref<1x512xi32, #tpu.memory_space<vmem>> -> memref<512xi32, #tpu.memory_space<vmem>>
          %dma_start3A_439 = tpu.memref_slice %arg2[%add3A_435] : memref<106496xi32, #tpu.memory_space<hbm>> -> memref<512xi32, #tpu.memory_space<hbm>>
          %dma_start3A_440 = tpu.memref_slice %arg13[%rem3A_351] : memref<2x!tpu.dma_semaphore, #tpu.memory_space<semaphore_mem>> -> memref<1x!tpu.dma_semaphore, #tpu.memory_space<semaphore_mem>>
          %dma_start3A_441 = tpu.memref_squeeze %dma_start3A_440 : memref<1x!tpu.dma_semaphore, #tpu.memory_space<semaphore_mem>> -> memref<!tpu.dma_semaphore, #tpu.memory_space<semaphore_mem>>
          %dma_start3A_442 = arith.constant 0 : i32
          %dma_start3A_443 = tpu.memref_slice %arg9[%rem3A_351, %dma_start3A_442] : memref<2x512xi32, #tpu.memory_space<vmem>> -> memref<1x512xi32, #tpu.memory_space<vmem>>
          %dma_start3A_444 = tpu.memref_squeeze %dma_start3A_443 : memref<1x512xi32, #tpu.memory_space<vmem>> -> memref<512xi32, #tpu.memory_space<vmem>>
          %dma_start3A_445 = tpu.memref_slice %arg2[%add3A_435] : memref<106496xi32, #tpu.memory_space<hbm>> -> memref<512xi32, #tpu.memory_space<hbm>>
          tpu.enqueue_dma source(%dma_start3A_445 : memref<512xi32, #tpu.memory_space<hbm>>) target(%dma_start3A_444 : memref<512xi32, #tpu.memory_space<vmem>>) target_semaphore(%dma_start3A_441 : memref<!tpu.dma_semaphore, #tpu.memory_space<semaphore_mem>>)
        } else {
        }
        %dma_wait3A_359 = arith.constant 0 : i32
        %dma_wait3A_360 = tpu.memref_slice %arg8[%rem3A_347, %dma_wait3A_359] : memref<2x512xi32, #tpu.memory_space<vmem>> -> memref<1x512xi32, #tpu.memory_space<vmem>>
        %dma_wait3A_361 = tpu.memref_squeeze %dma_wait3A_360 : memref<1x512xi32, #tpu.memory_space<vmem>> -> memref<512xi32, #tpu.memory_space<vmem>>
        %dma_wait3A_362 = arith.constant 0 : i32
        %dma_wait3A_363 = tpu.memref_slice %arg2[%dma_wait3A_362] : memref<106496xi32, #tpu.memory_space<hbm>> -> memref<512xi32, #tpu.memory_space<hbm>>
        %dma_wait3A_364 = tpu.memref_slice %arg13[%rem3A_347] : memref<2x!tpu.dma_semaphore, #tpu.memory_space<semaphore_mem>> -> memref<1x!tpu.dma_semaphore, #tpu.memory_space<semaphore_mem>>
        %dma_wait3A_365 = tpu.memref_squeeze %dma_wait3A_364 : memref<1x!tpu.dma_semaphore, #tpu.memory_space<semaphore_mem>> -> memref<!tpu.dma_semaphore, #tpu.memory_space<semaphore_mem>>
        %dma_wait3A_366 = arith.constant 0 : i32
        %dma_wait3A_367 = tpu.memref_slice %arg8[%rem3A_347, %dma_wait3A_366] : memref<2x512xi32, #tpu.memory_space<vmem>> -> memref<1x512xi32, #tpu.memory_space<vmem>>
        %dma_wait3A_368 = tpu.memref_squeeze %dma_wait3A_367 : memref<1x512xi32, #tpu.memory_space<vmem>> -> memref<512xi32, #tpu.memory_space<vmem>>
        %dma_wait3A_369 = arith.constant 0 : i32
        %dma_wait3A_370 = tpu.memref_slice %arg2[%dma_wait3A_369] : memref<106496xi32, #tpu.memory_space<hbm>> -> memref<512xi32, #tpu.memory_space<hbm>>
        tpu.wait_dma2 semaphore(%dma_wait3A_365 : memref<!tpu.dma_semaphore, #tpu.memory_space<semaphore_mem>>) src(%dma_wait3A_370 : memref<512xi32, #tpu.memory_space<hbm>>) dst(%dma_wait3A_368 : memref<512xi32, #tpu.memory_space<vmem>>)
        %dma_wait3A_371 = arith.constant 0 : i32
        %dma_wait3A_372 = tpu.memref_slice %arg9[%rem3A_347, %dma_wait3A_371] : memref<2x512xi32, #tpu.memory_space<vmem>> -> memref<1x512xi32, #tpu.memory_space<vmem>>
        %dma_wait3A_373 = tpu.memref_squeeze %dma_wait3A_372 : memref<1x512xi32, #tpu.memory_space<vmem>> -> memref<512xi32, #tpu.memory_space<vmem>>
        %dma_wait3A_374 = arith.constant 0 : i32
        %dma_wait3A_375 = tpu.memref_slice %arg2[%dma_wait3A_374] : memref<106496xi32, #tpu.memory_space<hbm>> -> memref<512xi32, #tpu.memory_space<hbm>>
        %dma_wait3A_376 = tpu.memref_slice %arg13[%rem3A_347] : memref<2x!tpu.dma_semaphore, #tpu.memory_space<semaphore_mem>> -> memref<1x!tpu.dma_semaphore, #tpu.memory_space<semaphore_mem>>
        %dma_wait3A_377 = tpu.memref_squeeze %dma_wait3A_376 : memref<1x!tpu.dma_semaphore, #tpu.memory_space<semaphore_mem>> -> memref<!tpu.dma_semaphore, #tpu.memory_space<semaphore_mem>>
        %dma_wait3A_378 = arith.constant 0 : i32
        %dma_wait3A_379 = tpu.memref_slice %arg9[%rem3A_347, %dma_wait3A_378] : memref<2x512xi32, #tpu.memory_space<vmem>> -> memref<1x512xi32, #tpu.memory_space<vmem>>
        %dma_wait3A_380 = tpu.memref_squeeze %dma_wait3A_379 : memref<1x512xi32, #tpu.memory_space<vmem>> -> memref<512xi32, #tpu.memory_space<vmem>>
        %dma_wait3A_381 = arith.constant 0 : i32
        %dma_wait3A_382 = tpu.memref_slice %arg2[%dma_wait3A_381] : memref<106496xi32, #tpu.memory_space<hbm>> -> memref<512xi32, #tpu.memory_space<hbm>>
        tpu.wait_dma2 semaphore(%dma_wait3A_377 : memref<!tpu.dma_semaphore, #tpu.memory_space<semaphore_mem>>) src(%dma_wait3A_382 : memref<512xi32, #tpu.memory_space<hbm>>) dst(%dma_wait3A_380 : memref<512xi32, #tpu.memory_space<vmem>>)
        %sub3A_383 = arith.subi %while3A_163, %add3A_4 : i32
        %mul3A_384 = arith.constant 8 : i32
        %mul3A_385 = arith.muli %sub3A_383, %mul3A_384 : i32
        %add3A_386 = arith.addi %mul3A_385, %scan3A_344 : i32
        %ge3A = arith.constant 2 : i32
        %ge3A_387 = arith.cmpi sge, %add3A_386, %ge3A : i32
        %convert_element_type3A_388 = arith.extui %ge3A_387 : i1 to i32
        %cond3A_389 = arith.constant 0 : i32
        %cond3A_390 = arith.cmpi ne, %convert_element_type3A_388, %cond3A_389 : i32
        scf.if %cond3A_390 {
          %dma_wait3A_412 = arith.constant 0 : i32
          %dma_wait3A_413 = arith.constant 0 : i32
          %dma_wait3A_414 = arith.constant 0 : i32
          %dma_wait3A_415 = tpu.memref_slice %arg7[%rem3A_347, %dma_wait3A_413, %dma_wait3A_414] : memref<2x8x512xf32, #tpu.memory_space<vmem>> -> memref<1x8x512xf32, #tpu.memory_space<vmem>>
          %dma_wait3A_416 = tpu.memref_squeeze %dma_wait3A_415 : memref<1x8x512xf32, #tpu.memory_space<vmem>> -> memref<8x512xf32, #tpu.memory_space<vmem>>
          %dma_wait3A_417 = arith.constant 0 : i32
          %dma_wait3A_418 = arith.constant 0 : i32
          %dma_wait3A_419 = tpu.memref_slice %arg4[%dma_wait3A_412, %dma_wait3A_417, %dma_wait3A_418] : memref<325x16x4096xf32, #tpu.memory_space<hbm>> -> memref<1x8x512xf32, #tpu.memory_space<hbm>>
          %dma_wait3A_420 = tpu.memref_squeeze %dma_wait3A_419 : memref<1x8x512xf32, #tpu.memory_space<hbm>> -> memref<8x512xf32, #tpu.memory_space<hbm>>
          %dma_wait3A_421 = tpu.memref_slice %arg12[%rem3A_347] : memref<2x!tpu.dma_semaphore, #tpu.memory_space<semaphore_mem>> -> memref<1x!tpu.dma_semaphore, #tpu.memory_space<semaphore_mem>>
          %dma_wait3A_422 = tpu.memref_squeeze %dma_wait3A_421 : memref<1x!tpu.dma_semaphore, #tpu.memory_space<semaphore_mem>> -> memref<!tpu.dma_semaphore, #tpu.memory_space<semaphore_mem>>
          %dma_wait3A_423 = arith.constant 0 : i32
          %dma_wait3A_424 = arith.constant 0 : i32
          %dma_wait3A_425 = tpu.memref_slice %arg4[%dma_wait3A_412, %dma_wait3A_423, %dma_wait3A_424] : memref<325x16x4096xf32, #tpu.memory_space<hbm>> -> memref<1x8x512xf32, #tpu.memory_space<hbm>>
          %dma_wait3A_426 = tpu.memref_squeeze %dma_wait3A_425 : memref<1x8x512xf32, #tpu.memory_space<hbm>> -> memref<8x512xf32, #tpu.memory_space<hbm>>
          %dma_wait3A_427 = arith.constant 0 : i32
          %dma_wait3A_428 = arith.constant 0 : i32
          %dma_wait3A_429 = tpu.memref_slice %arg7[%rem3A_347, %dma_wait3A_427, %dma_wait3A_428] : memref<2x8x512xf32, #tpu.memory_space<vmem>> -> memref<1x8x512xf32, #tpu.memory_space<vmem>>
          %dma_wait3A_430 = tpu.memref_squeeze %dma_wait3A_429 : memref<1x8x512xf32, #tpu.memory_space<vmem>> -> memref<8x512xf32, #tpu.memory_space<vmem>>
          tpu.wait_dma2 semaphore(%dma_wait3A_422 : memref<!tpu.dma_semaphore, #tpu.memory_space<semaphore_mem>>) src(%dma_wait3A_430 : memref<8x512xf32, #tpu.memory_space<vmem>>) dst(%dma_wait3A_426 : memref<8x512xf32, #tpu.memory_space<hbm>>)
        } else {
        }
        %parallel_loop3A = arith.constant 0 : i32
        %parallel_loop3A_391 = arith.constant 32 : i32
        %parallel_loop3A_392 = arith.constant 1 : i32
        scf.for %parallel_loop3A_412 = %parallel_loop3A to %parallel_loop3A_391 step %parallel_loop3A_392  : i32 {
          %parallel_loop3A_413 = arith.constant 16 : i32
          %parallel_loop3A_414 = arith.muli %parallel_loop3A_412, %parallel_loop3A_413 : i32
          %parallel_loop3A_415 = arith.index_cast %rem3A_347 : i32 to index
          %parallel_loop3A_416 = arith.index_cast %parallel_loop3A_414 : i32 to index
          %parallel_loop3A_417 = tpu.vector_load %arg8[%parallel_loop3A_415, %parallel_loop3A_416] {strides = array<i32>} : memref<2x512xi32, #tpu.memory_space<vmem>>, vector<16xi32>,
          %parallel_loop3A_418 = vector.broadcast %sub3A_276 : i32 to vector<16xi32>
          %parallel_loop3A_419 = arith.addi %parallel_loop3A_417, %parallel_loop3A_418 : vector<16xi32>
          %parallel_loop3A_420 = arith.constant 16 : i32
          %parallel_loop3A_421 = arith.muli %parallel_loop3A_412, %parallel_loop3A_420 : i32
          %parallel_loop3A_422 = arith.index_cast %rem3A_347 : i32 to index
          %parallel_loop3A_423 = arith.index_cast %parallel_loop3A_421 : i32 to index
          %parallel_loop3A_424 = tpu.vector_load %arg9[%parallel_loop3A_422, %parallel_loop3A_423] {strides = array<i32>} : memref<2x512xi32, #tpu.memory_space<vmem>>, vector<16xi32>,
          %parallel_loop3A_425 = vector.broadcast %sub3A_279 : i32 to vector<16xi32>
          %parallel_loop3A_426 = arith.addi %parallel_loop3A_424, %parallel_loop3A_425 : vector<16xi32>
          %parallel_loop3A_427 = arith.constant 0 : i32
          %parallel_loop3A_428 = vector.broadcast %parallel_loop3A_427 : i32 to vector<16xi32>
          %parallel_loop3A_429 = arith.constant 0 : i32
          %parallel_loop3A_430 = arith.constant 0 : i32
          %parallel_loop3A_431 = tpu.memref_slice %arg5[%rem3A_167, %parallel_loop3A_429, %parallel_loop3A_430] : memref<2x8x4096xf32, #tpu.memory_space<vmem>> -> memref<1x8x4096xf32, #tpu.memory_space<vmem>>
          %parallel_loop3A_432 = tpu.memref_squeeze %parallel_loop3A_431 : memref<1x8x4096xf32, #tpu.memory_space<vmem>> -> memref<8x4096xf32, #tpu.memory_space<vmem>>
          %parallel_loop3A_433 = tpu.vector_load_idx %parallel_loop3A_432[%parallel_loop3A_428, %parallel_loop3A_419] : memref<8x4096xf32, #tpu.memory_space<vmem>>[vector<16xi32>, vector<16xi32>], vector<16xf32>,
          %parallel_loop3A_434 = tpu.vector_load_idx %arg6[%parallel_loop3A_428, %parallel_loop3A_426] : memref<8x4096xf32, #tpu.memory_space<vmem>>[vector<16xi32>, vector<16xi32>], vector<16xf32>,
          %parallel_loop3A_435 = arith.mulf %parallel_loop3A_433, %parallel_loop3A_434 : vector<16xf32>
          %parallel_loop3A_436 = arith.constant 16 : i32
          %parallel_loop3A_437 = arith.muli %parallel_loop3A_412, %parallel_loop3A_436 : i32
          %parallel_loop3A_438 = arith.constant 0 : i32
          %parallel_loop3A_439 = arith.index_cast %rem3A_347 : i32 to index
          %parallel_loop3A_440 = arith.index_cast %parallel_loop3A_438 : i32 to index
          %parallel_loop3A_441 = arith.index_cast %parallel_loop3A_437 : i32 to index
          %parallel_loop3A_442 = tpu.vector_load %arg7[%parallel_loop3A_439, %parallel_loop3A_440, %parallel_loop3A_441] {strides = array<i32>} : memref<2x8x512xf32, #tpu.memory_space<vmem>>, vector<16xf32>,
          tpu.vector_store %arg7[%parallel_loop3A_439, %parallel_loop3A_440, %parallel_loop3A_441], %parallel_loop3A_435 {strides = array<i32>} : memref<2x8x512xf32, #tpu.memory_space<vmem>>, vector<16xf32>,
          %parallel_loop3A_443 = arith.constant 1 : i32
          %parallel_loop3A_444 = vector.broadcast %parallel_loop3A_443 : i32 to vector<16xi32>
          %parallel_loop3A_445 = arith.constant 0 : i32
          %parallel_loop3A_446 = arith.constant 0 : i32
          %parallel_loop3A_447 = tpu.memref_slice %arg5[%rem3A_167, %parallel_loop3A_445, %parallel_loop3A_446] : memref<2x8x4096xf32, #tpu.memory_space<vmem>> -> memref<1x8x4096xf32, #tpu.memory_space<vmem>>
          %parallel_loop3A_448 = tpu.memref_squeeze %parallel_loop3A_447 : memref<1x8x4096xf32, #tpu.memory_space<vmem>> -> memref<8x4096xf32, #tpu.memory_space<vmem>>
          %parallel_loop3A_449 = tpu.vector_load_idx %parallel_loop3A_448[%parallel_loop3A_444, %parallel_loop3A_419] : memref<8x4096xf32, #tpu.memory_space<vmem>>[vector<16xi32>, vector<16xi32>], vector<16xf32>,
          %parallel_loop3A_450 = tpu.vector_load_idx %arg6[%parallel_loop3A_444, %parallel_loop3A_426] : memref<8x4096xf32, #tpu.memory_space<vmem>>[vector<16xi32>, vector<16xi32>], vector<16xf32>,
          %parallel_loop3A_451 = arith.mulf %parallel_loop3A_449, %parallel_loop3A_450 : vector<16xf32>
          %parallel_loop3A_452 = arith.constant 16 : i32
          %parallel_loop3A_453 = arith.muli %parallel_loop3A_412, %parallel_loop3A_452 : i32
          %parallel_loop3A_454 = arith.constant 1 : i32
          %parallel_loop3A_455 = arith.index_cast %rem3A_347 : i32 to index
          %parallel_loop3A_456 = arith.index_cast %parallel_loop3A_454 : i32 to index
          %parallel_loop3A_457 = arith.index_cast %parallel_loop3A_453 : i32 to index
          %parallel_loop3A_458 = tpu.vector_load %arg7[%parallel_loop3A_455, %parallel_loop3A_456, %parallel_loop3A_457] {strides = array<i32>} : memref<2x8x512xf32, #tpu.memory_space<vmem>>, vector<16xf32>,
          tpu.vector_store %arg7[%parallel_loop3A_455, %parallel_loop3A_456, %parallel_loop3A_457], %parallel_loop3A_451 {strides = array<i32>} : memref<2x8x512xf32, #tpu.memory_space<vmem>>, vector<16xf32>,
          %parallel_loop3A_459 = arith.constant 2 : i32
          %parallel_loop3A_460 = vector.broadcast %parallel_loop3A_459 : i32 to vector<16xi32>
          %parallel_loop3A_461 = arith.constant 0 : i32
          %parallel_loop3A_462 = arith.constant 0 : i32
          %parallel_loop3A_463 = tpu.memref_slice %arg5[%rem3A_167, %parallel_loop3A_461, %parallel_loop3A_462] : memref<2x8x4096xf32, #tpu.memory_space<vmem>> -> memref<1x8x4096xf32, #tpu.memory_space<vmem>>
          %parallel_loop3A_464 = tpu.memref_squeeze %parallel_loop3A_463 : memref<1x8x4096xf32, #tpu.memory_space<vmem>> -> memref<8x4096xf32, #tpu.memory_space<vmem>>
          %parallel_loop3A_465 = tpu.vector_load_idx %parallel_loop3A_464[%parallel_loop3A_460, %parallel_loop3A_419] : memref<8x4096xf32, #tpu.memory_space<vmem>>[vector<16xi32>, vector<16xi32>], vector<16xf32>,
          %parallel_loop3A_466 = tpu.vector_load_idx %arg6[%parallel_loop3A_460, %parallel_loop3A_426] : memref<8x4096xf32, #tpu.memory_space<vmem>>[vector<16xi32>, vector<16xi32>], vector<16xf32>,
          %parallel_loop3A_467 = arith.mulf %parallel_loop3A_465, %parallel_loop3A_466 : vector<16xf32>
          %parallel_loop3A_468 = arith.constant 16 : i32
          %parallel_loop3A_469 = arith.muli %parallel_loop3A_412, %parallel_loop3A_468 : i32
          %parallel_loop3A_470 = arith.constant 2 : i32
          %parallel_loop3A_471 = arith.index_cast %rem3A_347 : i32 to index
          %parallel_loop3A_472 = arith.index_cast %parallel_loop3A_470 : i32 to index
          %parallel_loop3A_473 = arith.index_cast %parallel_loop3A_469 : i32 to index
          %parallel_loop3A_474 = tpu.vector_load %arg7[%parallel_loop3A_471, %parallel_loop3A_472, %parallel_loop3A_473] {strides = array<i32>} : memref<2x8x512xf32, #tpu.memory_space<vmem>>, vector<16xf32>,
          tpu.vector_store %arg7[%parallel_loop3A_471, %parallel_loop3A_472, %parallel_loop3A_473], %parallel_loop3A_467 {strides = array<i32>} : memref<2x8x512xf32, #tpu.memory_space<vmem>>, vector<16xf32>,
          %parallel_loop3A_475 = arith.constant 3 : i32
          %parallel_loop3A_476 = vector.broadcast %parallel_loop3A_475 : i32 to vector<16xi32>
          %parallel_loop3A_477 = arith.constant 0 : i32
          %parallel_loop3A_478 = arith.constant 0 : i32
          %parallel_loop3A_479 = tpu.memref_slice %arg5[%rem3A_167, %parallel_loop3A_477, %parallel_loop3A_478] : memref<2x8x4096xf32, #tpu.memory_space<vmem>> -> memref<1x8x4096xf32, #tpu.memory_space<vmem>>
          %parallel_loop3A_480 = tpu.memref_squeeze %parallel_loop3A_479 : memref<1x8x4096xf32, #tpu.memory_space<vmem>> -> memref<8x4096xf32, #tpu.memory_space<vmem>>
          %parallel_loop3A_481 = tpu.vector_load_idx %parallel_loop3A_480[%parallel_loop3A_476, %parallel_loop3A_419] : memref<8x4096xf32, #tpu.memory_space<vmem>>[vector<16xi32>, vector<16xi32>], vector<16xf32>,
          %parallel_loop3A_482 = tpu.vector_load_idx %arg6[%parallel_loop3A_476, %parallel_loop3A_426] : memref<8x4096xf32, #tpu.memory_space<vmem>>[vector<16xi32>, vector<16xi32>], vector<16xf32>,
          %parallel_loop3A_483 = arith.mulf %parallel_loop3A_481, %parallel_loop3A_482 : vector<16xf32>
          %parallel_loop3A_484 = arith.constant 16 : i32
          %parallel_loop3A_485 = arith.muli %parallel_loop3A_412, %parallel_loop3A_484 : i32
          %parallel_loop3A_486 = arith.constant 3 : i32
          %parallel_loop3A_487 = arith.index_cast %rem3A_347 : i32 to index
          %parallel_loop3A_488 = arith.index_cast %parallel_loop3A_486 : i32 to index
          %parallel_loop3A_489 = arith.index_cast %parallel_loop3A_485 : i32 to index
          %parallel_loop3A_490 = tpu.vector_load %arg7[%parallel_loop3A_487, %parallel_loop3A_488, %parallel_loop3A_489] {strides = array<i32>} : memref<2x8x512xf32, #tpu.memory_space<vmem>>, vector<16xf32>,
          tpu.vector_store %arg7[%parallel_loop3A_487, %parallel_loop3A_488, %parallel_loop3A_489], %parallel_loop3A_483 {strides = array<i32>} : memref<2x8x512xf32, #tpu.memory_space<vmem>>, vector<16xf32>,
          %parallel_loop3A_491 = arith.constant 4 : i32
          %parallel_loop3A_492 = vector.broadcast %parallel_loop3A_491 : i32 to vector<16xi32>
          %parallel_loop3A_493 = arith.constant 0 : i32
          %parallel_loop3A_494 = arith.constant 0 : i32
          %parallel_loop3A_495 = tpu.memref_slice %arg5[%rem3A_167, %parallel_loop3A_493, %parallel_loop3A_494] : memref<2x8x4096xf32, #tpu.memory_space<vmem>> -> memref<1x8x4096xf32, #tpu.memory_space<vmem>>
          %parallel_loop3A_496 = tpu.memref_squeeze %parallel_loop3A_495 : memref<1x8x4096xf32, #tpu.memory_space<vmem>> -> memref<8x4096xf32, #tpu.memory_space<vmem>>
          %parallel_loop3A_497 = tpu.vector_load_idx %parallel_loop3A_496[%parallel_loop3A_492, %parallel_loop3A_419] : memref<8x4096xf32, #tpu.memory_space<vmem>>[vector<16xi32>, vector<16xi32>], vector<16xf32>,
          %parallel_loop3A_498 = tpu.vector_load_idx %arg6[%parallel_loop3A_492, %parallel_loop3A_426] : memref<8x4096xf32, #tpu.memory_space<vmem>>[vector<16xi32>, vector<16xi32>], vector<16xf32>,
          %parallel_loop3A_499 = arith.mulf %parallel_loop3A_497, %parallel_loop3A_498 : vector<16xf32>
          %parallel_loop3A_500 = arith.constant 16 : i32
          %parallel_loop3A_501 = arith.muli %parallel_loop3A_412, %parallel_loop3A_500 : i32
          %parallel_loop3A_502 = arith.constant 4 : i32
          %parallel_loop3A_503 = arith.index_cast %rem3A_347 : i32 to index
          %parallel_loop3A_504 = arith.index_cast %parallel_loop3A_502 : i32 to index
          %parallel_loop3A_505 = arith.index_cast %parallel_loop3A_501 : i32 to index
          %parallel_loop3A_506 = tpu.vector_load %arg7[%parallel_loop3A_503, %parallel_loop3A_504, %parallel_loop3A_505] {strides = array<i32>} : memref<2x8x512xf32, #tpu.memory_space<vmem>>, vector<16xf32>,
          tpu.vector_store %arg7[%parallel_loop3A_503, %parallel_loop3A_504, %parallel_loop3A_505], %parallel_loop3A_499 {strides = array<i32>} : memref<2x8x512xf32, #tpu.memory_space<vmem>>, vector<16xf32>,
          %parallel_loop3A_507 = arith.constant 5 : i32
          %parallel_loop3A_508 = vector.broadcast %parallel_loop3A_507 : i32 to vector<16xi32>
          %parallel_loop3A_509 = arith.constant 0 : i32
          %parallel_loop3A_510 = arith.constant 0 : i32
          %parallel_loop3A_511 = tpu.memref_slice %arg5[%rem3A_167, %parallel_loop3A_509, %parallel_loop3A_510] : memref<2x8x4096xf32, #tpu.memory_space<vmem>> -> memref<1x8x4096xf32, #tpu.memory_space<vmem>>
          %parallel_loop3A_512 = tpu.memref_squeeze %parallel_loop3A_511 : memref<1x8x4096xf32, #tpu.memory_space<vmem>> -> memref<8x4096xf32, #tpu.memory_space<vmem>>
          %parallel_loop3A_513 = tpu.vector_load_idx %parallel_loop3A_512[%parallel_loop3A_508, %parallel_loop3A_419] : memref<8x4096xf32, #tpu.memory_space<vmem>>[vector<16xi32>, vector<16xi32>], vector<16xf32>,
          %parallel_loop3A_514 = tpu.vector_load_idx %arg6[%parallel_loop3A_508, %parallel_loop3A_426] : memref<8x4096xf32, #tpu.memory_space<vmem>>[vector<16xi32>, vector<16xi32>], vector<16xf32>,
          %parallel_loop3A_515 = arith.mulf %parallel_loop3A_513, %parallel_loop3A_514 : vector<16xf32>
          %parallel_loop3A_516 = arith.constant 16 : i32
          %parallel_loop3A_517 = arith.muli %parallel_loop3A_412, %parallel_loop3A_516 : i32
          %parallel_loop3A_518 = arith.constant 5 : i32
          %parallel_loop3A_519 = arith.index_cast %rem3A_347 : i32 to index
          %parallel_loop3A_520 = arith.index_cast %parallel_loop3A_518 : i32 to index
          %parallel_loop3A_521 = arith.index_cast %parallel_loop3A_517 : i32 to index
          %parallel_loop3A_522 = tpu.vector_load %arg7[%parallel_loop3A_519, %parallel_loop3A_520, %parallel_loop3A_521] {strides = array<i32>} : memref<2x8x512xf32, #tpu.memory_space<vmem>>, vector<16xf32>,
          tpu.vector_store %arg7[%parallel_loop3A_519, %parallel_loop3A_520, %parallel_loop3A_521], %parallel_loop3A_515 {strides = array<i32>} : memref<2x8x512xf32, #tpu.memory_space<vmem>>, vector<16xf32>,
          %parallel_loop3A_523 = arith.constant 6 : i32
          %parallel_loop3A_524 = vector.broadcast %parallel_loop3A_523 : i32 to vector<16xi32>
          %parallel_loop3A_525 = arith.constant 0 : i32
          %parallel_loop3A_526 = arith.constant 0 : i32
          %parallel_loop3A_527 = tpu.memref_slice %arg5[%rem3A_167, %parallel_loop3A_525, %parallel_loop3A_526] : memref<2x8x4096xf32, #tpu.memory_space<vmem>> -> memref<1x8x4096xf32, #tpu.memory_space<vmem>>
          %parallel_loop3A_528 = tpu.memref_squeeze %parallel_loop3A_527 : memref<1x8x4096xf32, #tpu.memory_space<vmem>> -> memref<8x4096xf32, #tpu.memory_space<vmem>>
          %parallel_loop3A_529 = tpu.vector_load_idx %parallel_loop3A_528[%parallel_loop3A_524, %parallel_loop3A_419] : memref<8x4096xf32, #tpu.memory_space<vmem>>[vector<16xi32>, vector<16xi32>], vector<16xf32>,
          %parallel_loop3A_530 = tpu.vector_load_idx %arg6[%parallel_loop3A_524, %parallel_loop3A_426] : memref<8x4096xf32, #tpu.memory_space<vmem>>[vector<16xi32>, vector<16xi32>], vector<16xf32>,
          %parallel_loop3A_531 = arith.mulf %parallel_loop3A_529, %parallel_loop3A_530 : vector<16xf32>
          %parallel_loop3A_532 = arith.constant 16 : i32
          %parallel_loop3A_533 = arith.muli %parallel_loop3A_412, %parallel_loop3A_532 : i32
          %parallel_loop3A_534 = arith.constant 6 : i32
          %parallel_loop3A_535 = arith.index_cast %rem3A_347 : i32 to index
          %parallel_loop3A_536 = arith.index_cast %parallel_loop3A_534 : i32 to index
          %parallel_loop3A_537 = arith.index_cast %parallel_loop3A_533 : i32 to index
          %parallel_loop3A_538 = tpu.vector_load %arg7[%parallel_loop3A_535, %parallel_loop3A_536, %parallel_loop3A_537] {strides = array<i32>} : memref<2x8x512xf32, #tpu.memory_space<vmem>>, vector<16xf32>,
          tpu.vector_store %arg7[%parallel_loop3A_535, %parallel_loop3A_536, %parallel_loop3A_537], %parallel_loop3A_531 {strides = array<i32>} : memref<2x8x512xf32, #tpu.memory_space<vmem>>, vector<16xf32>,
          %parallel_loop3A_539 = arith.constant 7 : i32
          %parallel_loop3A_540 = vector.broadcast %parallel_loop3A_539 : i32 to vector<16xi32>
          %parallel_loop3A_541 = arith.constant 0 : i32
          %parallel_loop3A_542 = arith.constant 0 : i32
          %parallel_loop3A_543 = tpu.memref_slice %arg5[%rem3A_167, %parallel_loop3A_541, %parallel_loop3A_542] : memref<2x8x4096xf32, #tpu.memory_space<vmem>> -> memref<1x8x4096xf32, #tpu.memory_space<vmem>>
          %parallel_loop3A_544 = tpu.memref_squeeze %parallel_loop3A_543 : memref<1x8x4096xf32, #tpu.memory_space<vmem>> -> memref<8x4096xf32, #tpu.memory_space<vmem>>
          %parallel_loop3A_545 = tpu.vector_load_idx %parallel_loop3A_544[%parallel_loop3A_540, %parallel_loop3A_419] : memref<8x4096xf32, #tpu.memory_space<vmem>>[vector<16xi32>, vector<16xi32>], vector<16xf32>,
          %parallel_loop3A_546 = tpu.vector_load_idx %arg6[%parallel_loop3A_540, %parallel_loop3A_426] : memref<8x4096xf32, #tpu.memory_space<vmem>>[vector<16xi32>, vector<16xi32>], vector<16xf32>,
          %parallel_loop3A_547 = arith.mulf %parallel_loop3A_545, %parallel_loop3A_546 : vector<16xf32>
          %parallel_loop3A_548 = arith.constant 16 : i32
          %parallel_loop3A_549 = arith.muli %parallel_loop3A_412, %parallel_loop3A_548 : i32
          %parallel_loop3A_550 = arith.constant 7 : i32
          %parallel_loop3A_551 = arith.index_cast %rem3A_347 : i32 to index
          %parallel_loop3A_552 = arith.index_cast %parallel_loop3A_550 : i32 to index
          %parallel_loop3A_553 = arith.index_cast %parallel_loop3A_549 : i32 to index
          %parallel_loop3A_554 = tpu.vector_load %arg7[%parallel_loop3A_551, %parallel_loop3A_552, %parallel_loop3A_553] {strides = array<i32>} : memref<2x8x512xf32, #tpu.memory_space<vmem>>, vector<16xf32>,
          tpu.vector_store %arg7[%parallel_loop3A_551, %parallel_loop3A_552, %parallel_loop3A_553], %parallel_loop3A_547 {strides = array<i32>} : memref<2x8x512xf32, #tpu.memory_space<vmem>>, vector<16xf32>,
        } {sc.loop_unroll_factor = 2 : i64, sc.parallel_access}
        %mul3A_393 = arith.constant 8 : i32
        %mul3A_394 = arith.muli %rem3A_167, %mul3A_393 : i32
        %mul3A_395 = arith.constant 512 : i32
        %mul3A_396 = arith.muli %scan3A_344, %mul3A_395 : i32
        %dma_start3A_397 = arith.constant 0 : i32
        %dma_start3A_398 = arith.constant 0 : i32
        %dma_start3A_399 = tpu.memref_slice %arg7[%rem3A_347, %dma_start3A_397, %dma_start3A_398] : memref<2x8x512xf32, #tpu.memory_space<vmem>> -> memref<1x8x512xf32, #tpu.memory_space<vmem>>
        %dma_start3A_400 = tpu.memref_squeeze %dma_start3A_399 : memref<1x8x512xf32, #tpu.memory_space<vmem>> -> memref<8x512xf32, #tpu.memory_space<vmem>>
        %dma_start3A_401 = tpu.memref_slice %arg4[%select_n3A_191, %mul3A_394, %mul3A_396] : memref<325x16x4096xf32, #tpu.memory_space<hbm>> -> memref<1x8x512xf32, #tpu.memory_space<hbm>>
        %dma_start3A_402 = tpu.memref_squeeze %dma_start3A_401 : memref<1x8x512xf32, #tpu.memory_space<hbm>> -> memref<8x512xf32, #tpu.memory_space<hbm>>
        %dma_start3A_403 = tpu.memref_slice %arg12[%rem3A_347] : memref<2x!tpu.dma_semaphore, #tpu.memory_space<semaphore_mem>> -> memref<1x!tpu.dma_semaphore, #tpu.memory_space<semaphore_mem>>
        %dma_start3A_404 = tpu.memref_squeeze %dma_start3A_403 : memref<1x!tpu.dma_semaphore, #tpu.memory_space<semaphore_mem>> -> memref<!tpu.dma_semaphore, #tpu.memory_space<semaphore_mem>>
        %dma_start3A_405 = tpu.memref_slice %arg4[%select_n3A_191, %mul3A_394, %mul3A_396] : memref<325x16x4096xf32, #tpu.memory_space<hbm>> -> memref<1x8x512xf32, #tpu.memory_space<hbm>>
        %dma_start3A_406 = tpu.memref_squeeze %dma_start3A_405 : memref<1x8x512xf32, #tpu.memory_space<hbm>> -> memref<8x512xf32, #tpu.memory_space<hbm>>
        %dma_start3A_407 = arith.constant 0 : i32
        %dma_start3A_408 = arith.constant 0 : i32
        %dma_start3A_409 = tpu.memref_slice %arg7[%rem3A_347, %dma_start3A_407, %dma_start3A_408] : memref<2x8x512xf32, #tpu.memory_space<vmem>> -> memref<1x8x512xf32, #tpu.memory_space<vmem>>
        %dma_start3A_410 = tpu.memref_squeeze %dma_start3A_409 : memref<1x8x512xf32, #tpu.memory_space<vmem>> -> memref<8x512xf32, #tpu.memory_space<vmem>>
        tpu.enqueue_dma source(%dma_start3A_410 : memref<8x512xf32, #tpu.memory_space<vmem>>) target(%dma_start3A_406 : memref<8x512xf32, #tpu.memory_space<hbm>>) target_semaphore(%dma_start3A_404 : memref<!tpu.dma_semaphore, #tpu.memory_space<semaphore_mem>>)
        %scan3A_411 = arith.constant 0 : i32
        scf.yield %scan3A_411 : i32
      }
      %scan3A_337 = arith.constant 8 : i32
      %eq3A_338 = arith.constant 1 : i32
      %eq3A_339 = arith.cmpi eq, %rem3A_167, %eq3A_338 : i32
      %select_n3A_340 = arith.select %eq3A_339, %select_n3A_230, %while3A_164 : i32
      %eq3A_341 = arith.constant 1 : i32
      %eq3A_342 = arith.cmpi eq, %rem3A_167, %eq3A_341 : i32
      %select_n3A_343 = arith.select %eq3A_342, %select_n3A_235, %while3A_165 : i32
      scf.yield %select_n3A_340, %select_n3A_343 : i32, i32
    }
    %while3A_120 = arith.constant 1 : i32
    %while3A_121:2 = scf.for %while3A_163 = %while3A_117 to %while3A_113 step %while3A_120 iter_args(%while3A_164 = %while3A_119#0, %while3A_165 = %while3A_119#1) -> (i32, i32)  : i32 {
      %rem3A_166 = arith.constant 2 : i32
      %rem3A_167 = arith.remsi %while3A_163, %rem3A_166 : i32
      %jit3A_168 = arith.constant 2 : i32
      %div3A_169 = arith.divsi %while3A_163, %jit3A_168 : i32
      %sign3A_170 = arith.constant 0 : i32
      %sign3A_171 = arith.cmpi sgt, %while3A_163, %sign3A_170 : i32
      %sign3A_172 = arith.extui %sign3A_171 : i1 to i32
      %sign3A_173 = arith.constant 0 : i32
      %sign3A_174 = arith.cmpi slt, %while3A_163, %sign3A_173 : i32
      %sign3A_175 = arith.extui %sign3A_174 : i1 to i32
      %sign3A_176 = arith.subi %sign3A_172, %sign3A_175 : i32
      %sign3A_177 = arith.constant 0 : i32
      %sign3A_178 = arith.cmpi sgt, %jit3A_168, %sign3A_177 : i32
      %sign3A_179 = arith.extui %sign3A_178 : i1 to i32
      %sign3A_180 = arith.constant 0 : i32
      %sign3A_181 = arith.cmpi slt, %jit3A_168, %sign3A_180 : i32
      %sign3A_182 = arith.extui %sign3A_181 : i1 to i32
      %sign3A_183 = arith.subi %sign3A_179, %sign3A_182 : i32
      %ne3A_184 = arith.cmpi ne, %sign3A_176, %sign3A_183 : i32
      %rem3A_185 = arith.remsi %while3A_163, %jit3A_168 : i32
      %ne3A_186 = arith.constant 0 : i32
      %ne3A_187 = arith.cmpi ne, %rem3A_185, %ne3A_186 : i32
      %and3A_188 = arith.andi %ne3A_184, %ne3A_187 : i1
      %sub3A_189 = arith.constant 1 : i32
      %sub3A_190 = arith.subi %div3A_169, %sub3A_189 : i32
      %select_n3A_191 = arith.select %and3A_188, %sub3A_190, %div3A_169 : i32
      %mul3A_192 = arith.constant 3846 : i32
      %mul3A_193 = arith.muli %while3A_165, %mul3A_192 : i32
      %jit3A_194 = arith.constant 128 : i32
      %div3A_195 = arith.divsi %mul3A_193, %jit3A_194 : i32
      %sign3A_196 = arith.constant 0 : i32
      %sign3A_197 = arith.cmpi sgt, %mul3A_193, %sign3A_196 : i32
      %sign3A_198 = arith.extui %sign3A_197 : i1 to i32
      %sign3A_199 = arith.constant 0 : i32
      %sign3A_200 = arith.cmpi slt, %mul3A_193, %sign3A_199 : i32
      %sign3A_201 = arith.extui %sign3A_200 : i1 to i32
      %sign3A_202 = arith.subi %sign3A_198, %sign3A_201 : i32
      %sign3A_203 = arith.constant 0 : i32
      %sign3A_204 = arith.cmpi sgt, %jit3A_194, %sign3A_203 : i32
      %sign3A_205 = arith.extui %sign3A_204 : i1 to i32
      %sign3A_206 = arith.constant 0 : i32
      %sign3A_207 = arith.cmpi slt, %jit3A_194, %sign3A_206 : i32
      %sign3A_208 = arith.extui %sign3A_207 : i1 to i32
      %sign3A_209 = arith.subi %sign3A_205, %sign3A_208 : i32
      %ne3A_210 = arith.cmpi ne, %sign3A_202, %sign3A_209 : i32
      %rem3A_211 = arith.remsi %mul3A_193, %jit3A_194 : i32
      %ne3A_212 = arith.constant 0 : i32
      %ne3A_213 = arith.cmpi ne, %rem3A_211, %ne3A_212 : i32
      %and3A_214 = arith.andi %ne3A_210, %ne3A_213 : i1
      %sub3A_215 = arith.constant 1 : i32
      %sub3A_216 = arith.subi %div3A_195, %sub3A_215 : i32
      %select_n3A_217 = arith.select %and3A_214, %sub3A_216, %div3A_195 : i32
      %mul3A_218 = arith.constant 128 : i32
      %mul3A_219 = arith.muli %select_n3A_217, %mul3A_218 : i32
      %mul3A_220 = arith.constant 8 : i32
      %mul3A_221 = arith.muli %rem3A_167, %mul3A_220 : i32
      %dma_start3A_222 = tpu.memref_slice %arg3[%while3A_164, %mul3A_221, %mul3A_219] : memref<26x16x99996xf32, #tpu.memory_space<hbm>> -> memref<1x8x4096xf32, #tpu.memory_space<hbm>>
      %dma_start3A_223 = tpu.memref_squeeze %dma_start3A_222 : memref<1x8x4096xf32, #tpu.memory_space<hbm>> -> memref<8x4096xf32, #tpu.memory_space<hbm>>
      %dma_start3A_224 = tpu.memref_slice %arg3[%while3A_164, %mul3A_221, %mul3A_219] : memref<26x16x99996xf32, #tpu.memory_space<hbm>> -> memref<1x8x4096xf32, #tpu.memory_space<hbm>>
      %dma_start3A_225 = tpu.memref_squeeze %dma_start3A_224 : memref<1x8x4096xf32, #tpu.memory_space<hbm>> -> memref<8x4096xf32, #tpu.memory_space<hbm>>
      tpu.enqueue_dma source(%dma_start3A_225 : memref<8x4096xf32, #tpu.memory_space<hbm>>) target(%arg6 : memref<8x4096xf32, #tpu.memory_space<vmem>>) target_semaphore(%arg11 : memref<!tpu.dma_semaphore, #tpu.memory_space<semaphore_mem>>)
      %eq3A_226 = arith.constant 25 : i32
      %eq3A_227 = arith.cmpi eq, %while3A_165, %eq3A_226 : i32
      %add3A_228 = arith.constant 1 : i32
      %add3A_229 = arith.addi %while3A_164, %add3A_228 : i32
      %select_n3A_230 = arith.select %eq3A_227, %add3A_229, %while3A_164 : i32
      %add3A_231 = arith.constant 1 : i32
      %add3A_232 = arith.addi %select_n3A_230, %add3A_231 : i32
      %add3A_233 = arith.constant 1 : i32
      %add3A_234 = arith.addi %while3A_165, %add3A_233 : i32
      %select_n3A_235 = arith.select %eq3A_227, %add3A_232, %add3A_234 : i32
      %eq3A_236 = arith.constant 1 : i32
      %eq3A_237 = arith.cmpi eq, %rem3A_167, %eq3A_236 : i32
      %select_n3A_238 = arith.select %eq3A_237, %select_n3A_230, %while3A_164 : i32
      %eq3A_239 = arith.constant 1 : i32
      %eq3A_240 = arith.cmpi eq, %rem3A_167, %eq3A_239 : i32
      %select_n3A_241 = arith.select %eq3A_240, %select_n3A_235, %while3A_165 : i32
      %add3A_242 = arith.constant 1 : i32
      %add3A_243 = arith.addi %while3A_163, %add3A_242 : i32
      %lt3A_244 = arith.cmpi slt, %add3A_243, %add3A_9 : i32
      %convert_element_type3A = arith.extui %lt3A_244 : i1 to i32
      %cond3A = arith.constant 0 : i32
      %cond3A_245 = arith.cmpi ne, %convert_element_type3A, %cond3A : i32
      scf.if %cond3A_245 {
        %sub3A_344 = arith.constant 1 : i32
        %sub3A_345 = arith.subi %sub3A_344, %rem3A_167 : i32
        %sub3A_346 = arith.constant 1 : i32
        %sub3A_347 = arith.subi %sub3A_346, %rem3A_167 : i32
        %mul3A_348 = arith.constant 3846 : i32
        %mul3A_349 = arith.muli %select_n3A_238, %mul3A_348 : i32
        %jit3A_350 = arith.constant 128 : i32
        %div3A_351 = arith.divsi %mul3A_349, %jit3A_350 : i32
        %sign3A_352 = arith.constant 0 : i32
        %sign3A_353 = arith.cmpi sgt, %mul3A_349, %sign3A_352 : i32
        %sign3A_354 = arith.extui %sign3A_353 : i1 to i32
        %sign3A_355 = arith.constant 0 : i32
        %sign3A_356 = arith.cmpi slt, %mul3A_349, %sign3A_355 : i32
        %sign3A_357 = arith.extui %sign3A_356 : i1 to i32
        %sign3A_358 = arith.subi %sign3A_354, %sign3A_357 : i32
        %sign3A_359 = arith.constant 0 : i32
        %sign3A_360 = arith.cmpi sgt, %jit3A_350, %sign3A_359 : i32
        %sign3A_361 = arith.extui %sign3A_360 : i1 to i32
        %sign3A_362 = arith.constant 0 : i32
        %sign3A_363 = arith.cmpi slt, %jit3A_350, %sign3A_362 : i32
        %sign3A_364 = arith.extui %sign3A_363 : i1 to i32
        %sign3A_365 = arith.subi %sign3A_361, %sign3A_364 : i32
        %ne3A_366 = arith.cmpi ne, %sign3A_358, %sign3A_365 : i32
        %rem3A_367 = arith.remsi %mul3A_349, %jit3A_350 : i32
        %ne3A_368 = arith.constant 0 : i32
        %ne3A_369 = arith.cmpi ne, %rem3A_367, %ne3A_368 : i32
        %and3A_370 = arith.andi %ne3A_366, %ne3A_369 : i1
        %sub3A_371 = arith.constant 1 : i32
        %sub3A_372 = arith.subi %div3A_351, %sub3A_371 : i32
        %select_n3A_373 = arith.select %and3A_370, %sub3A_372, %div3A_351 : i32
        %mul3A_374 = arith.constant 128 : i32
        %mul3A_375 = arith.muli %select_n3A_373, %mul3A_374 : i32
        %mul3A_376 = arith.constant 8 : i32
        %mul3A_377 = arith.muli %sub3A_345, %mul3A_376 : i32
        %dma_start3A_378 = arith.constant 0 : i32
        %dma_start3A_379 = arith.constant 0 : i32
        %dma_start3A_380 = tpu.memref_slice %arg5[%sub3A_347, %dma_start3A_378, %dma_start3A_379] : memref<2x8x4096xf32, #tpu.memory_space<vmem>> -> memref<1x8x4096xf32, #tpu.memory_space<vmem>>
        %dma_start3A_381 = tpu.memref_squeeze %dma_start3A_380 : memref<1x8x4096xf32, #tpu.memory_space<vmem>> -> memref<8x4096xf32, #tpu.memory_space<vmem>>
        %dma_start3A_382 = tpu.memref_slice %arg3[%select_n3A_241, %mul3A_377, %mul3A_375] : memref<26x16x99996xf32, #tpu.memory_space<hbm>> -> memref<1x8x4096xf32, #tpu.memory_space<hbm>>
        %dma_start3A_383 = tpu.memref_squeeze %dma_start3A_382 : memref<1x8x4096xf32, #tpu.memory_space<hbm>> -> memref<8x4096xf32, #tpu.memory_space<hbm>>
        %dma_start3A_384 = tpu.memref_slice %arg10[%sub3A_347] : memref<2x!tpu.dma_semaphore, #tpu.memory_space<semaphore_mem>> -> memref<1x!tpu.dma_semaphore, #tpu.memory_space<semaphore_mem>>
        %dma_start3A_385 = tpu.memref_squeeze %dma_start3A_384 : memref<1x!tpu.dma_semaphore, #tpu.memory_space<semaphore_mem>> -> memref<!tpu.dma_semaphore, #tpu.memory_space<semaphore_mem>>
        %dma_start3A_386 = arith.constant 0 : i32
        %dma_start3A_387 = arith.constant 0 : i32
        %dma_start3A_388 = tpu.memref_slice %arg5[%sub3A_347, %dma_start3A_386, %dma_start3A_387] : memref<2x8x4096xf32, #tpu.memory_space<vmem>> -> memref<1x8x4096xf32, #tpu.memory_space<vmem>>
        %dma_start3A_389 = tpu.memref_squeeze %dma_start3A_388 : memref<1x8x4096xf32, #tpu.memory_space<vmem>> -> memref<8x4096xf32, #tpu.memory_space<vmem>>
        %dma_start3A_390 = tpu.memref_slice %arg3[%select_n3A_241, %mul3A_377, %mul3A_375] : memref<26x16x99996xf32, #tpu.memory_space<hbm>> -> memref<1x8x4096xf32, #tpu.memory_space<hbm>>
        %dma_start3A_391 = tpu.memref_squeeze %dma_start3A_390 : memref<1x8x4096xf32, #tpu.memory_space<hbm>> -> memref<8x4096xf32, #tpu.memory_space<hbm>>
        tpu.enqueue_dma source(%dma_start3A_391 : memref<8x4096xf32, #tpu.memory_space<hbm>>) target(%dma_start3A_389 : memref<8x4096xf32, #tpu.memory_space<vmem>>) target_semaphore(%dma_start3A_385 : memref<!tpu.dma_semaphore, #tpu.memory_space<semaphore_mem>>)
      } else {
      }
      %mul3A_246 = arith.constant 3846 : i32
      %mul3A_247 = arith.muli %while3A_164, %mul3A_246 : i32
      %jit3A_248 = arith.constant 128 : i32
      %div3A_249 = arith.divsi %mul3A_247, %jit3A_248 : i32
      %sign3A_250 = arith.constant 0 : i32
      %sign3A_251 = arith.cmpi sgt, %mul3A_247, %sign3A_250 : i32
      %sign3A_252 = arith.extui %sign3A_251 : i1 to i32
      %sign3A_253 = arith.constant 0 : i32
      %sign3A_254 = arith.cmpi slt, %mul3A_247, %sign3A_253 : i32
      %sign3A_255 = arith.extui %sign3A_254 : i1 to i32
      %sign3A_256 = arith.subi %sign3A_252, %sign3A_255 : i32
      %sign3A_257 = arith.constant 0 : i32
      %sign3A_258 = arith.cmpi sgt, %jit3A_248, %sign3A_257 : i32
      %sign3A_259 = arith.extui %sign3A_258 : i1 to i32
      %sign3A_260 = arith.constant 0 : i32
      %sign3A_261 = arith.cmpi slt, %jit3A_248, %sign3A_260 : i32
      %sign3A_262 = arith.extui %sign3A_261 : i1 to i32
      %sign3A_263 = arith.subi %sign3A_259, %sign3A_262 : i32
      %ne3A_264 = arith.cmpi ne, %sign3A_256, %sign3A_263 : i32
      %rem3A_265 = arith.remsi %mul3A_247, %jit3A_248 : i32
      %ne3A_266 = arith.constant 0 : i32
      %ne3A_267 = arith.cmpi ne, %rem3A_265, %ne3A_266 : i32
      %and3A_268 = arith.andi %ne3A_264, %ne3A_267 : i1
      %sub3A_269 = arith.constant 1 : i32
      %sub3A_270 = arith.subi %div3A_249, %sub3A_269 : i32
      %select_n3A_271 = arith.select %and3A_268, %sub3A_270, %div3A_249 : i32
      %mul3A_272 = arith.constant 128 : i32
      %mul3A_273 = arith.muli %select_n3A_271, %mul3A_272 : i32
      %mul3A_274 = arith.constant 3846 : i32
      %mul3A_275 = arith.muli %while3A_164, %mul3A_274 : i32
      %sub3A_276 = arith.subi %mul3A_275, %mul3A_273 : i32
      %mul3A_277 = arith.constant 3846 : i32
      %mul3A_278 = arith.muli %while3A_165, %mul3A_277 : i32
      %sub3A_279 = arith.subi %mul3A_278, %mul3A_219 : i32
      %mul3A_280 = arith.constant 4096 : i32
      %mul3A_281 = arith.muli %while3A_164, %mul3A_280 : i32
      %dma_start3A_282 = arith.constant 0 : i32
      %dma_start3A_283 = arith.constant 0 : i32
      %dma_start3A_284 = arith.constant 0 : i32
      %dma_start3A_285 = tpu.memref_slice %arg8[%dma_start3A_282, %dma_start3A_284] : memref<2x512xi32, #tpu.memory_space<vmem>> -> memref<1x512xi32, #tpu.memory_space<vmem>>
      %dma_start3A_286 = tpu.memref_squeeze %dma_start3A_285 : memref<1x512xi32, #tpu.memory_space<vmem>> -> memref<512xi32, #tpu.memory_space<vmem>>
      %dma_start3A_287 = tpu.memref_slice %arg2[%mul3A_281] : memref<106496xi32, #tpu.memory_space<hbm>> -> memref<512xi32, #tpu.memory_space<hbm>>
      %dma_start3A_288 = tpu.memref_slice %arg13[%dma_start3A_283] : memref<2x!tpu.dma_semaphore, #tpu.memory_space<semaphore_mem>> -> memref<1x!tpu.dma_semaphore, #tpu.memory_space<semaphore_mem>>
      %dma_start3A_289 = tpu.memref_squeeze %dma_start3A_288 : memref<1x!tpu.dma_semaphore, #tpu.memory_space<semaphore_mem>> -> memref<!tpu.dma_semaphore, #tpu.memory_space<semaphore_mem>>
      %dma_start3A_290 = arith.constant 0 : i32
      %dma_start3A_291 = tpu.memref_slice %arg8[%dma_start3A_282, %dma_start3A_290] : memref<2x512xi32, #tpu.memory_space<vmem>> -> memref<1x512xi32, #tpu.memory_space<vmem>>
      %dma_start3A_292 = tpu.memref_squeeze %dma_start3A_291 : memref<1x512xi32, #tpu.memory_space<vmem>> -> memref<512xi32, #tpu.memory_space<vmem>>
      %dma_start3A_293 = tpu.memref_slice %arg2[%mul3A_281] : memref<106496xi32, #tpu.memory_space<hbm>> -> memref<512xi32, #tpu.memory_space<hbm>>
      tpu.enqueue_dma source(%dma_start3A_293 : memref<512xi32, #tpu.memory_space<hbm>>) target(%dma_start3A_292 : memref<512xi32, #tpu.memory_space<vmem>>) target_semaphore(%dma_start3A_289 : memref<!tpu.dma_semaphore, #tpu.memory_space<semaphore_mem>>)
      %mul3A_294 = arith.constant 4096 : i32
      %mul3A_295 = arith.muli %while3A_165, %mul3A_294 : i32
      %dma_start3A_296 = arith.constant 0 : i32
      %dma_start3A_297 = arith.constant 0 : i32
      %dma_start3A_298 = arith.constant 0 : i32
      %dma_start3A_299 = tpu.memref_slice %arg9[%dma_start3A_296, %dma_start3A_298] : memref<2x512xi32, #tpu.memory_space<vmem>> -> memref<1x512xi32, #tpu.memory_space<vmem>>
      %dma_start3A_300 = tpu.memref_squeeze %dma_start3A_299 : memref<1x512xi32, #tpu.memory_space<vmem>> -> memref<512xi32, #tpu.memory_space<vmem>>
      %dma_start3A_301 = tpu.memref_slice %arg2[%mul3A_295] : memref<106496xi32, #tpu.memory_space<hbm>> -> memref<512xi32, #tpu.memory_space<hbm>>
      %dma_start3A_302 = tpu.memref_slice %arg13[%dma_start3A_297] : memref<2x!tpu.dma_semaphore, #tpu.memory_space<semaphore_mem>> -> memref<1x!tpu.dma_semaphore, #tpu.memory_space<semaphore_mem>>
      %dma_start3A_303 = tpu.memref_squeeze %dma_start3A_302 : memref<1x!tpu.dma_semaphore, #tpu.memory_space<semaphore_mem>> -> memref<!tpu.dma_semaphore, #tpu.memory_space<semaphore_mem>>
      %dma_start3A_304 = arith.constant 0 : i32
      %dma_start3A_305 = tpu.memref_slice %arg9[%dma_start3A_296, %dma_start3A_304] : memref<2x512xi32, #tpu.memory_space<vmem>> -> memref<1x512xi32, #tpu.memory_space<vmem>>
      %dma_start3A_306 = tpu.memref_squeeze %dma_start3A_305 : memref<1x512xi32, #tpu.memory_space<vmem>> -> memref<512xi32, #tpu.memory_space<vmem>>
      %dma_start3A_307 = tpu.memref_slice %arg2[%mul3A_295] : memref<106496xi32, #tpu.memory_space<hbm>> -> memref<512xi32, #tpu.memory_space<hbm>>
      tpu.enqueue_dma source(%dma_start3A_307 : memref<512xi32, #tpu.memory_space<hbm>>) target(%dma_start3A_306 : memref<512xi32, #tpu.memory_space<vmem>>) target_semaphore(%dma_start3A_303 : memref<!tpu.dma_semaphore, #tpu.memory_space<semaphore_mem>>)
      %dma_wait3A_308 = arith.constant 0 : i32
      %dma_wait3A_309 = arith.constant 0 : i32
      %dma_wait3A_310 = arith.constant 0 : i32
      %dma_wait3A_311 = tpu.memref_slice %arg5[%rem3A_167, %dma_wait3A_309, %dma_wait3A_310] : memref<2x8x4096xf32, #tpu.memory_space<vmem>> -> memref<1x8x4096xf32, #tpu.memory_space<vmem>>
      %dma_wait3A_312 = tpu.memref_squeeze %dma_wait3A_311 : memref<1x8x4096xf32, #tpu.memory_space<vmem>> -> memref<8x4096xf32, #tpu.memory_space<vmem>>
      %dma_wait3A_313 = arith.constant 0 : i32
      %dma_wait3A_314 = arith.constant 0 : i32
      %dma_wait3A_315 = tpu.memref_slice %arg3[%dma_wait3A_308, %dma_wait3A_313, %dma_wait3A_314] : memref<26x16x99996xf32, #tpu.memory_space<hbm>> -> memref<1x8x4096xf32, #tpu.memory_space<hbm>>
      %dma_wait3A_316 = tpu.memref_squeeze %dma_wait3A_315 : memref<1x8x4096xf32, #tpu.memory_space<hbm>> -> memref<8x4096xf32, #tpu.memory_space<hbm>>
      %dma_wait3A_317 = tpu.memref_slice %arg10[%rem3A_167] : memref<2x!tpu.dma_semaphore, #tpu.memory_space<semaphore_mem>> -> memref<1x!tpu.dma_semaphore, #tpu.memory_space<semaphore_mem>>
      %dma_wait3A_318 = tpu.memref_squeeze %dma_wait3A_317 : memref<1x!tpu.dma_semaphore, #tpu.memory_space<semaphore_mem>> -> memref<!tpu.dma_semaphore, #tpu.memory_space<semaphore_mem>>
      %dma_wait3A_319 = arith.constant 0 : i32
      %dma_wait3A_320 = arith.constant 0 : i32
      %dma_wait3A_321 = tpu.memref_slice %arg5[%rem3A_167, %dma_wait3A_319, %dma_wait3A_320] : memref<2x8x4096xf32, #tpu.memory_space<vmem>> -> memref<1x8x4096xf32, #tpu.memory_space<vmem>>
      %dma_wait3A_322 = tpu.memref_squeeze %dma_wait3A_321 : memref<1x8x4096xf32, #tpu.memory_space<vmem>> -> memref<8x4096xf32, #tpu.memory_space<vmem>>
      %dma_wait3A_323 = arith.constant 0 : i32
      %dma_wait3A_324 = arith.constant 0 : i32
      %dma_wait3A_325 = tpu.memref_slice %arg3[%dma_wait3A_308, %dma_wait3A_323, %dma_wait3A_324] : memref<26x16x99996xf32, #tpu.memory_space<hbm>> -> memref<1x8x4096xf32, #tpu.memory_space<hbm>>
      %dma_wait3A_326 = tpu.memref_squeeze %dma_wait3A_325 : memref<1x8x4096xf32, #tpu.memory_space<hbm>> -> memref<8x4096xf32, #tpu.memory_space<hbm>>
      tpu.wait_dma2 semaphore(%dma_wait3A_318 : memref<!tpu.dma_semaphore, #tpu.memory_space<semaphore_mem>>) src(%dma_wait3A_326 : memref<8x4096xf32, #tpu.memory_space<hbm>>) dst(%dma_wait3A_322 : memref<8x4096xf32, #tpu.memory_space<vmem>>)
      %dma_wait3A_327 = tpu.memref_slice %arg3[%while3A_164, %mul3A_221, %mul3A_219] : memref<26x16x99996xf32, #tpu.memory_space<hbm>> -> memref<1x8x4096xf32, #tpu.memory_space<hbm>>
      %dma_wait3A_328 = tpu.memref_squeeze %dma_wait3A_327 : memref<1x8x4096xf32, #tpu.memory_space<hbm>> -> memref<8x4096xf32, #tpu.memory_space<hbm>>
      %dma_wait3A_329 = tpu.memref_slice %arg3[%while3A_164, %mul3A_221, %mul3A_219] : memref<26x16x99996xf32, #tpu.memory_space<hbm>> -> memref<1x8x4096xf32, #tpu.memory_space<hbm>>
      %dma_wait3A_330 = tpu.memref_squeeze %dma_wait3A_329 : memref<1x8x4096xf32, #tpu.memory_space<hbm>> -> memref<8x4096xf32, #tpu.memory_space<hbm>>
      tpu.wait_dma2 semaphore(%arg11 : memref<!tpu.dma_semaphore, #tpu.memory_space<semaphore_mem>>) src(%dma_wait3A_330 : memref<8x4096xf32, #tpu.memory_space<hbm>>) dst(%arg6 : memref<8x4096xf32, #tpu.memory_space<vmem>>)
      %scan3A_331 = arith.constant 0 : i32
      %scan3A_332 = arith.constant 0 : i32
      %scan3A_333 = arith.constant 8 : i32
      %scan3A_334 = arith.addi %scan3A_332, %scan3A_333 : i32
      %scan3A_335 = arith.constant 1 : i32
      %scan3A_336 = scf.for %scan3A_344 = %scan3A_332 to %scan3A_334 step %scan3A_335 iter_args(%scan3A_345 = %scan3A_331) -> (i32)  : i32 {
        %rem3A_346 = arith.constant 2 : i32
        %rem3A_347 = arith.remsi %scan3A_344, %rem3A_346 : i32
        %add3A_348 = arith.constant 1 : i32
        %add3A_349 = arith.addi %scan3A_344, %add3A_348 : i32
        %rem3A_350 = arith.constant 2 : i32
        %rem3A_351 = arith.remsi %add3A_349, %rem3A_350 : i32
        %add3A_352 = arith.constant 1 : i32
        %add3A_353 = arith.addi %scan3A_344, %add3A_352 : i32
        %lt3A_354 = arith.constant 8 : i32
        %lt3A_355 = arith.cmpi slt, %add3A_353, %lt3A_354 : i32
        %convert_element_type3A_356 = arith.extui %lt3A_355 : i1 to i32
        %cond3A_357 = arith.constant 0 : i32
        %cond3A_358 = arith.cmpi ne, %convert_element_type3A_356, %cond3A_357 : i32
        scf.if %cond3A_358 {
          %mul3A_412 = arith.constant 4096 : i32
          %mul3A_413 = arith.muli %while3A_164, %mul3A_412 : i32
          %add3A_414 = arith.constant 1 : i32
          %add3A_415 = arith.addi %scan3A_344, %add3A_414 : i32
          %mul3A_416 = arith.constant 512 : i32
          %mul3A_417 = arith.muli %add3A_415, %mul3A_416 : i32
          %add3A_418 = arith.addi %mul3A_413, %mul3A_417 : i32
          %dma_start3A_419 = arith.constant 0 : i32
          %dma_start3A_420 = tpu.memref_slice %arg8[%rem3A_351, %dma_start3A_419] : memref<2x512xi32, #tpu.memory_space<vmem>> -> memref<1x512xi32, #tpu.memory_space<vmem>>
          %dma_start3A_421 = tpu.memref_squeeze %dma_start3A_420 : memref<1x512xi32, #tpu.memory_space<vmem>> -> memref<512xi32, #tpu.memory_space<vmem>>
          %dma_start3A_422 = tpu.memref_slice %arg2[%add3A_418] : memref<106496xi32, #tpu.memory_space<hbm>> -> memref<512xi32, #tpu.memory_space<hbm>>
          %dma_start3A_423 = tpu.memref_slice %arg13[%rem3A_351] : memref<2x!tpu.dma_semaphore, #tpu.memory_space<semaphore_mem>> -> memref<1x!tpu.dma_semaphore, #tpu.memory_space<semaphore_mem>>
          %dma_start3A_424 = tpu.memref_squeeze %dma_start3A_423 : memref<1x!tpu.dma_semaphore, #tpu.memory_space<semaphore_mem>> -> memref<!tpu.dma_semaphore, #tpu.memory_space<semaphore_mem>>
          %dma_start3A_425 = arith.constant 0 : i32
          %dma_start3A_426 = tpu.memref_slice %arg8[%rem3A_351, %dma_start3A_425] : memref<2x512xi32, #tpu.memory_space<vmem>> -> memref<1x512xi32, #tpu.memory_space<vmem>>
          %dma_start3A_427 = tpu.memref_squeeze %dma_start3A_426 : memref<1x512xi32, #tpu.memory_space<vmem>> -> memref<512xi32, #tpu.memory_space<vmem>>
          %dma_start3A_428 = tpu.memref_slice %arg2[%add3A_418] : memref<106496xi32, #tpu.memory_space<hbm>> -> memref<512xi32, #tpu.memory_space<hbm>>
          tpu.enqueue_dma source(%dma_start3A_428 : memref<512xi32, #tpu.memory_space<hbm>>) target(%dma_start3A_427 : memref<512xi32, #tpu.memory_space<vmem>>) target_semaphore(%dma_start3A_424 : memref<!tpu.dma_semaphore, #tpu.memory_space<semaphore_mem>>)
          %mul3A_429 = arith.constant 4096 : i32
          %mul3A_430 = arith.muli %while3A_165, %mul3A_429 : i32
          %add3A_431 = arith.constant 1 : i32
          %add3A_432 = arith.addi %scan3A_344, %add3A_431 : i32
          %mul3A_433 = arith.constant 512 : i32
          %mul3A_434 = arith.muli %add3A_432, %mul3A_433 : i32
          %add3A_435 = arith.addi %mul3A_430, %mul3A_434 : i32
          %dma_start3A_436 = arith.constant 0 : i32
          %dma_start3A_437 = tpu.memref_slice %arg9[%rem3A_351, %dma_start3A_436] : memref<2x512xi32, #tpu.memory_space<vmem>> -> memref<1x512xi32, #tpu.memory_space<vmem>>
          %dma_start3A_438 = tpu.memref_squeeze %dma_start3A_437 : memref<1x512xi32, #tpu.memory_space<vmem>> -> memref<512xi32, #tpu.memory_space<vmem>>
          %dma_start3A_439 = tpu.memref_slice %arg2[%add3A_435] : memref<106496xi32, #tpu.memory_space<hbm>> -> memref<512xi32, #tpu.memory_space<hbm>>
          %dma_start3A_440 = tpu.memref_slice %arg13[%rem3A_351] : memref<2x!tpu.dma_semaphore, #tpu.memory_space<semaphore_mem>> -> memref<1x!tpu.dma_semaphore, #tpu.memory_space<semaphore_mem>>
          %dma_start3A_441 = tpu.memref_squeeze %dma_start3A_440 : memref<1x!tpu.dma_semaphore, #tpu.memory_space<semaphore_mem>> -> memref<!tpu.dma_semaphore, #tpu.memory_space<semaphore_mem>>
          %dma_start3A_442 = arith.constant 0 : i32
          %dma_start3A_443 = tpu.memref_slice %arg9[%rem3A_351, %dma_start3A_442] : memref<2x512xi32, #tpu.memory_space<vmem>> -> memref<1x512xi32, #tpu.memory_space<vmem>>
          %dma_start3A_444 = tpu.memref_squeeze %dma_start3A_443 : memref<1x512xi32, #tpu.memory_space<vmem>> -> memref<512xi32, #tpu.memory_space<vmem>>
          %dma_start3A_445 = tpu.memref_slice %arg2[%add3A_435] : memref<106496xi32, #tpu.memory_space<hbm>> -> memref<512xi32, #tpu.memory_space<hbm>>
          tpu.enqueue_dma source(%dma_start3A_445 : memref<512xi32, #tpu.memory_space<hbm>>) target(%dma_start3A_444 : memref<512xi32, #tpu.memory_space<vmem>>) target_semaphore(%dma_start3A_441 : memref<!tpu.dma_semaphore, #tpu.memory_space<semaphore_mem>>)
        } else {
        }
        %dma_wait3A_359 = arith.constant 0 : i32
        %dma_wait3A_360 = tpu.memref_slice %arg8[%rem3A_347, %dma_wait3A_359] : memref<2x512xi32, #tpu.memory_space<vmem>> -> memref<1x512xi32, #tpu.memory_space<vmem>>
        %dma_wait3A_361 = tpu.memref_squeeze %dma_wait3A_360 : memref<1x512xi32, #tpu.memory_space<vmem>> -> memref<512xi32, #tpu.memory_space<vmem>>
        %dma_wait3A_362 = arith.constant 0 : i32
        %dma_wait3A_363 = tpu.memref_slice %arg2[%dma_wait3A_362] : memref<106496xi32, #tpu.memory_space<hbm>> -> memref<512xi32, #tpu.memory_space<hbm>>
        %dma_wait3A_364 = tpu.memref_slice %arg13[%rem3A_347] : memref<2x!tpu.dma_semaphore, #tpu.memory_space<semaphore_mem>> -> memref<1x!tpu.dma_semaphore, #tpu.memory_space<semaphore_mem>>
        %dma_wait3A_365 = tpu.memref_squeeze %dma_wait3A_364 : memref<1x!tpu.dma_semaphore, #tpu.memory_space<semaphore_mem>> -> memref<!tpu.dma_semaphore, #tpu.memory_space<semaphore_mem>>
        %dma_wait3A_366 = arith.constant 0 : i32
        %dma_wait3A_367 = tpu.memref_slice %arg8[%rem3A_347, %dma_wait3A_366] : memref<2x512xi32, #tpu.memory_space<vmem>> -> memref<1x512xi32, #tpu.memory_space<vmem>>
        %dma_wait3A_368 = tpu.memref_squeeze %dma_wait3A_367 : memref<1x512xi32, #tpu.memory_space<vmem>> -> memref<512xi32, #tpu.memory_space<vmem>>
        %dma_wait3A_369 = arith.constant 0 : i32
        %dma_wait3A_370 = tpu.memref_slice %arg2[%dma_wait3A_369] : memref<106496xi32, #tpu.memory_space<hbm>> -> memref<512xi32, #tpu.memory_space<hbm>>
        tpu.wait_dma2 semaphore(%dma_wait3A_365 : memref<!tpu.dma_semaphore, #tpu.memory_space<semaphore_mem>>) src(%dma_wait3A_370 : memref<512xi32, #tpu.memory_space<hbm>>) dst(%dma_wait3A_368 : memref<512xi32, #tpu.memory_space<vmem>>)
        %dma_wait3A_371 = arith.constant 0 : i32
        %dma_wait3A_372 = tpu.memref_slice %arg9[%rem3A_347, %dma_wait3A_371] : memref<2x512xi32, #tpu.memory_space<vmem>> -> memref<1x512xi32, #tpu.memory_space<vmem>>
        %dma_wait3A_373 = tpu.memref_squeeze %dma_wait3A_372 : memref<1x512xi32, #tpu.memory_space<vmem>> -> memref<512xi32, #tpu.memory_space<vmem>>
        %dma_wait3A_374 = arith.constant 0 : i32
        %dma_wait3A_375 = tpu.memref_slice %arg2[%dma_wait3A_374] : memref<106496xi32, #tpu.memory_space<hbm>> -> memref<512xi32, #tpu.memory_space<hbm>>
        %dma_wait3A_376 = tpu.memref_slice %arg13[%rem3A_347] : memref<2x!tpu.dma_semaphore, #tpu.memory_space<semaphore_mem>> -> memref<1x!tpu.dma_semaphore, #tpu.memory_space<semaphore_mem>>
        %dma_wait3A_377 = tpu.memref_squeeze %dma_wait3A_376 : memref<1x!tpu.dma_semaphore, #tpu.memory_space<semaphore_mem>> -> memref<!tpu.dma_semaphore, #tpu.memory_space<semaphore_mem>>
        %dma_wait3A_378 = arith.constant 0 : i32
        %dma_wait3A_379 = tpu.memref_slice %arg9[%rem3A_347, %dma_wait3A_378] : memref<2x512xi32, #tpu.memory_space<vmem>> -> memref<1x512xi32, #tpu.memory_space<vmem>>
        %dma_wait3A_380 = tpu.memref_squeeze %dma_wait3A_379 : memref<1x512xi32, #tpu.memory_space<vmem>> -> memref<512xi32, #tpu.memory_space<vmem>>
        %dma_wait3A_381 = arith.constant 0 : i32
        %dma_wait3A_382 = tpu.memref_slice %arg2[%dma_wait3A_381] : memref<106496xi32, #tpu.memory_space<hbm>> -> memref<512xi32, #tpu.memory_space<hbm>>
        tpu.wait_dma2 semaphore(%dma_wait3A_377 : memref<!tpu.dma_semaphore, #tpu.memory_space<semaphore_mem>>) src(%dma_wait3A_382 : memref<512xi32, #tpu.memory_space<hbm>>) dst(%dma_wait3A_380 : memref<512xi32, #tpu.memory_space<vmem>>)
        %sub3A_383 = arith.subi %while3A_163, %add3A_4 : i32
        %mul3A_384 = arith.constant 8 : i32
        %mul3A_385 = arith.muli %sub3A_383, %mul3A_384 : i32
        %add3A_386 = arith.addi %mul3A_385, %scan3A_344 : i32
        %ge3A = arith.constant 2 : i32
        %ge3A_387 = arith.cmpi sge, %add3A_386, %ge3A : i32
        %convert_element_type3A_388 = arith.extui %ge3A_387 : i1 to i32
        %cond3A_389 = arith.constant 0 : i32
        %cond3A_390 = arith.cmpi ne, %convert_element_type3A_388, %cond3A_389 : i32
        scf.if %cond3A_390 {
          %dma_wait3A_412 = arith.constant 0 : i32
          %dma_wait3A_413 = arith.constant 0 : i32
          %dma_wait3A_414 = arith.constant 0 : i32
          %dma_wait3A_415 = tpu.memref_slice %arg7[%rem3A_347, %dma_wait3A_413, %dma_wait3A_414] : memref<2x8x512xf32, #tpu.memory_space<vmem>> -> memref<1x8x512xf32, #tpu.memory_space<vmem>>
          %dma_wait3A_416 = tpu.memref_squeeze %dma_wait3A_415 : memref<1x8x512xf32, #tpu.memory_space<vmem>> -> memref<8x512xf32, #tpu.memory_space<vmem>>
          %dma_wait3A_417 = arith.constant 0 : i32
          %dma_wait3A_418 = arith.constant 0 : i32
          %dma_wait3A_419 = tpu.memref_slice %arg4[%dma_wait3A_412, %dma_wait3A_417, %dma_wait3A_418] : memref<325x16x4096xf32, #tpu.memory_space<hbm>> -> memref<1x8x512xf32, #tpu.memory_space<hbm>>
          %dma_wait3A_420 = tpu.memref_squeeze %dma_wait3A_419 : memref<1x8x512xf32, #tpu.memory_space<hbm>> -> memref<8x512xf32, #tpu.memory_space<hbm>>
          %dma_wait3A_421 = tpu.memref_slice %arg12[%rem3A_347] : memref<2x!tpu.dma_semaphore, #tpu.memory_space<semaphore_mem>> -> memref<1x!tpu.dma_semaphore, #tpu.memory_space<semaphore_mem>>
          %dma_wait3A_422 = tpu.memref_squeeze %dma_wait3A_421 : memref<1x!tpu.dma_semaphore, #tpu.memory_space<semaphore_mem>> -> memref<!tpu.dma_semaphore, #tpu.memory_space<semaphore_mem>>
          %dma_wait3A_423 = arith.constant 0 : i32
          %dma_wait3A_424 = arith.constant 0 : i32
          %dma_wait3A_425 = tpu.memref_slice %arg4[%dma_wait3A_412, %dma_wait3A_423, %dma_wait3A_424] : memref<325x16x4096xf32, #tpu.memory_space<hbm>> -> memref<1x8x512xf32, #tpu.memory_space<hbm>>
          %dma_wait3A_426 = tpu.memref_squeeze %dma_wait3A_425 : memref<1x8x512xf32, #tpu.memory_space<hbm>> -> memref<8x512xf32, #tpu.memory_space<hbm>>
          %dma_wait3A_427 = arith.constant 0 : i32
          %dma_wait3A_428 = arith.constant 0 : i32
          %dma_wait3A_429 = tpu.memref_slice %arg7[%rem3A_347, %dma_wait3A_427, %dma_wait3A_428] : memref<2x8x512xf32, #tpu.memory_space<vmem>> -> memref<1x8x512xf32, #tpu.memory_space<vmem>>
          %dma_wait3A_430 = tpu.memref_squeeze %dma_wait3A_429 : memref<1x8x512xf32, #tpu.memory_space<vmem>> -> memref<8x512xf32, #tpu.memory_space<vmem>>
          tpu.wait_dma2 semaphore(%dma_wait3A_422 : memref<!tpu.dma_semaphore, #tpu.memory_space<semaphore_mem>>) src(%dma_wait3A_430 : memref<8x512xf32, #tpu.memory_space<vmem>>) dst(%dma_wait3A_426 : memref<8x512xf32, #tpu.memory_space<hbm>>)
        } else {
        }
        %parallel_loop3A = arith.constant 0 : i32
        %parallel_loop3A_391 = arith.constant 32 : i32
        %parallel_loop3A_392 = arith.constant 1 : i32
        scf.for %parallel_loop3A_412 = %parallel_loop3A to %parallel_loop3A_391 step %parallel_loop3A_392  : i32 {
          %parallel_loop3A_413 = arith.constant 16 : i32
          %parallel_loop3A_414 = arith.muli %parallel_loop3A_412, %parallel_loop3A_413 : i32
          %parallel_loop3A_415 = arith.index_cast %rem3A_347 : i32 to index
          %parallel_loop3A_416 = arith.index_cast %parallel_loop3A_414 : i32 to index
          %parallel_loop3A_417 = tpu.vector_load %arg8[%parallel_loop3A_415, %parallel_loop3A_416] {strides = array<i32>} : memref<2x512xi32, #tpu.memory_space<vmem>>, vector<16xi32>,
          %parallel_loop3A_418 = vector.broadcast %sub3A_276 : i32 to vector<16xi32>
          %parallel_loop3A_419 = arith.addi %parallel_loop3A_417, %parallel_loop3A_418 : vector<16xi32>
          %parallel_loop3A_420 = arith.constant 16 : i32
          %parallel_loop3A_421 = arith.muli %parallel_loop3A_412, %parallel_loop3A_420 : i32
          %parallel_loop3A_422 = arith.index_cast %rem3A_347 : i32 to index
          %parallel_loop3A_423 = arith.index_cast %parallel_loop3A_421 : i32 to index
          %parallel_loop3A_424 = tpu.vector_load %arg9[%parallel_loop3A_422, %parallel_loop3A_423] {strides = array<i32>} : memref<2x512xi32, #tpu.memory_space<vmem>>, vector<16xi32>,
          %parallel_loop3A_425 = vector.broadcast %sub3A_279 : i32 to vector<16xi32>
          %parallel_loop3A_426 = arith.addi %parallel_loop3A_424, %parallel_loop3A_425 : vector<16xi32>
          %parallel_loop3A_427 = arith.constant 0 : i32
          %parallel_loop3A_428 = vector.broadcast %parallel_loop3A_427 : i32 to vector<16xi32>
          %parallel_loop3A_429 = arith.constant 0 : i32
          %parallel_loop3A_430 = arith.constant 0 : i32
          %parallel_loop3A_431 = tpu.memref_slice %arg5[%rem3A_167, %parallel_loop3A_429, %parallel_loop3A_430] : memref<2x8x4096xf32, #tpu.memory_space<vmem>> -> memref<1x8x4096xf32, #tpu.memory_space<vmem>>
          %parallel_loop3A_432 = tpu.memref_squeeze %parallel_loop3A_431 : memref<1x8x4096xf32, #tpu.memory_space<vmem>> -> memref<8x4096xf32, #tpu.memory_space<vmem>>
          %parallel_loop3A_433 = tpu.vector_load_idx %parallel_loop3A_432[%parallel_loop3A_428, %parallel_loop3A_419] : memref<8x4096xf32, #tpu.memory_space<vmem>>[vector<16xi32>, vector<16xi32>], vector<16xf32>,
          %parallel_loop3A_434 = tpu.vector_load_idx %arg6[%parallel_loop3A_428, %parallel_loop3A_426] : memref<8x4096xf32, #tpu.memory_space<vmem>>[vector<16xi32>, vector<16xi32>], vector<16xf32>,
          %parallel_loop3A_435 = arith.mulf %parallel_loop3A_433, %parallel_loop3A_434 : vector<16xf32>
          %parallel_loop3A_436 = arith.constant 16 : i32
          %parallel_loop3A_437 = arith.muli %parallel_loop3A_412, %parallel_loop3A_436 : i32
          %parallel_loop3A_438 = arith.constant 0 : i32
          %parallel_loop3A_439 = arith.index_cast %rem3A_347 : i32 to index
          %parallel_loop3A_440 = arith.index_cast %parallel_loop3A_438 : i32 to index
          %parallel_loop3A_441 = arith.index_cast %parallel_loop3A_437 : i32 to index
          %parallel_loop3A_442 = tpu.vector_load %arg7[%parallel_loop3A_439, %parallel_loop3A_440, %parallel_loop3A_441] {strides = array<i32>} : memref<2x8x512xf32, #tpu.memory_space<vmem>>, vector<16xf32>,
          tpu.vector_store %arg7[%parallel_loop3A_439, %parallel_loop3A_440, %parallel_loop3A_441], %parallel_loop3A_435 {strides = array<i32>} : memref<2x8x512xf32, #tpu.memory_space<vmem>>, vector<16xf32>,
          %parallel_loop3A_443 = arith.constant 1 : i32
          %parallel_loop3A_444 = vector.broadcast %parallel_loop3A_443 : i32 to vector<16xi32>
          %parallel_loop3A_445 = arith.constant 0 : i32
          %parallel_loop3A_446 = arith.constant 0 : i32
          %parallel_loop3A_447 = tpu.memref_slice %arg5[%rem3A_167, %parallel_loop3A_445, %parallel_loop3A_446] : memref<2x8x4096xf32, #tpu.memory_space<vmem>> -> memref<1x8x4096xf32, #tpu.memory_space<vmem>>
          %parallel_loop3A_448 = tpu.memref_squeeze %parallel_loop3A_447 : memref<1x8x4096xf32, #tpu.memory_space<vmem>> -> memref<8x4096xf32, #tpu.memory_space<vmem>>
          %parallel_loop3A_449 = tpu.vector_load_idx %parallel_loop3A_448[%parallel_loop3A_444, %parallel_loop3A_419] : memref<8x4096xf32, #tpu.memory_space<vmem>>[vector<16xi32>, vector<16xi32>], vector<16xf32>,
          %parallel_loop3A_450 = tpu.vector_load_idx %arg6[%parallel_loop3A_444, %parallel_loop3A_426] : memref<8x4096xf32, #tpu.memory_space<vmem>>[vector<16xi32>, vector<16xi32>], vector<16xf32>,
          %parallel_loop3A_451 = arith.mulf %parallel_loop3A_449, %parallel_loop3A_450 : vector<16xf32>
          %parallel_loop3A_452 = arith.constant 16 : i32
          %parallel_loop3A_453 = arith.muli %parallel_loop3A_412, %parallel_loop3A_452 : i32
          %parallel_loop3A_454 = arith.constant 1 : i32
          %parallel_loop3A_455 = arith.index_cast %rem3A_347 : i32 to index
          %parallel_loop3A_456 = arith.index_cast %parallel_loop3A_454 : i32 to index
          %parallel_loop3A_457 = arith.index_cast %parallel_loop3A_453 : i32 to index
          %parallel_loop3A_458 = tpu.vector_load %arg7[%parallel_loop3A_455, %parallel_loop3A_456, %parallel_loop3A_457] {strides = array<i32>} : memref<2x8x512xf32, #tpu.memory_space<vmem>>, vector<16xf32>,
          tpu.vector_store %arg7[%parallel_loop3A_455, %parallel_loop3A_456, %parallel_loop3A_457], %parallel_loop3A_451 {strides = array<i32>} : memref<2x8x512xf32, #tpu.memory_space<vmem>>, vector<16xf32>,
          %parallel_loop3A_459 = arith.constant 2 : i32
          %parallel_loop3A_460 = vector.broadcast %parallel_loop3A_459 : i32 to vector<16xi32>
          %parallel_loop3A_461 = arith.constant 0 : i32
          %parallel_loop3A_462 = arith.constant 0 : i32
          %parallel_loop3A_463 = tpu.memref_slice %arg5[%rem3A_167, %parallel_loop3A_461, %parallel_loop3A_462] : memref<2x8x4096xf32, #tpu.memory_space<vmem>> -> memref<1x8x4096xf32, #tpu.memory_space<vmem>>
          %parallel_loop3A_464 = tpu.memref_squeeze %parallel_loop3A_463 : memref<1x8x4096xf32, #tpu.memory_space<vmem>> -> memref<8x4096xf32, #tpu.memory_space<vmem>>
          %parallel_loop3A_465 = tpu.vector_load_idx %parallel_loop3A_464[%parallel_loop3A_460, %parallel_loop3A_419] : memref<8x4096xf32, #tpu.memory_space<vmem>>[vector<16xi32>, vector<16xi32>], vector<16xf32>,
          %parallel_loop3A_466 = tpu.vector_load_idx %arg6[%parallel_loop3A_460, %parallel_loop3A_426] : memref<8x4096xf32, #tpu.memory_space<vmem>>[vector<16xi32>, vector<16xi32>], vector<16xf32>,
          %parallel_loop3A_467 = arith.mulf %parallel_loop3A_465, %parallel_loop3A_466 : vector<16xf32>
          %parallel_loop3A_468 = arith.constant 16 : i32
          %parallel_loop3A_469 = arith.muli %parallel_loop3A_412, %parallel_loop3A_468 : i32
          %parallel_loop3A_470 = arith.constant 2 : i32
          %parallel_loop3A_471 = arith.index_cast %rem3A_347 : i32 to index
          %parallel_loop3A_472 = arith.index_cast %parallel_loop3A_470 : i32 to index
          %parallel_loop3A_473 = arith.index_cast %parallel_loop3A_469 : i32 to index
          %parallel_loop3A_474 = tpu.vector_load %arg7[%parallel_loop3A_471, %parallel_loop3A_472, %parallel_loop3A_473] {strides = array<i32>} : memref<2x8x512xf32, #tpu.memory_space<vmem>>, vector<16xf32>,
          tpu.vector_store %arg7[%parallel_loop3A_471, %parallel_loop3A_472, %parallel_loop3A_473], %parallel_loop3A_467 {strides = array<i32>} : memref<2x8x512xf32, #tpu.memory_space<vmem>>, vector<16xf32>,
          %parallel_loop3A_475 = arith.constant 3 : i32
          %parallel_loop3A_476 = vector.broadcast %parallel_loop3A_475 : i32 to vector<16xi32>
          %parallel_loop3A_477 = arith.constant 0 : i32
          %parallel_loop3A_478 = arith.constant 0 : i32
          %parallel_loop3A_479 = tpu.memref_slice %arg5[%rem3A_167, %parallel_loop3A_477, %parallel_loop3A_478] : memref<2x8x4096xf32, #tpu.memory_space<vmem>> -> memref<1x8x4096xf32, #tpu.memory_space<vmem>>
          %parallel_loop3A_480 = tpu.memref_squeeze %parallel_loop3A_479 : memref<1x8x4096xf32, #tpu.memory_space<vmem>> -> memref<8x4096xf32, #tpu.memory_space<vmem>>
          %parallel_loop3A_481 = tpu.vector_load_idx %parallel_loop3A_480[%parallel_loop3A_476, %parallel_loop3A_419] : memref<8x4096xf32, #tpu.memory_space<vmem>>[vector<16xi32>, vector<16xi32>], vector<16xf32>,
          %parallel_loop3A_482 = tpu.vector_load_idx %arg6[%parallel_loop3A_476, %parallel_loop3A_426] : memref<8x4096xf32, #tpu.memory_space<vmem>>[vector<16xi32>, vector<16xi32>], vector<16xf32>,
          %parallel_loop3A_483 = arith.mulf %parallel_loop3A_481, %parallel_loop3A_482 : vector<16xf32>
          %parallel_loop3A_484 = arith.constant 16 : i32
          %parallel_loop3A_485 = arith.muli %parallel_loop3A_412, %parallel_loop3A_484 : i32
          %parallel_loop3A_486 = arith.constant 3 : i32
          %parallel_loop3A_487 = arith.index_cast %rem3A_347 : i32 to index
          %parallel_loop3A_488 = arith.index_cast %parallel_loop3A_486 : i32 to index
          %parallel_loop3A_489 = arith.index_cast %parallel_loop3A_485 : i32 to index
          %parallel_loop3A_490 = tpu.vector_load %arg7[%parallel_loop3A_487, %parallel_loop3A_488, %parallel_loop3A_489] {strides = array<i32>} : memref<2x8x512xf32, #tpu.memory_space<vmem>>, vector<16xf32>,
          tpu.vector_store %arg7[%parallel_loop3A_487, %parallel_loop3A_488, %parallel_loop3A_489], %parallel_loop3A_483 {strides = array<i32>} : memref<2x8x512xf32, #tpu.memory_space<vmem>>, vector<16xf32>,
          %parallel_loop3A_491 = arith.constant 4 : i32
          %parallel_loop3A_492 = vector.broadcast %parallel_loop3A_491 : i32 to vector<16xi32>
          %parallel_loop3A_493 = arith.constant 0 : i32
          %parallel_loop3A_494 = arith.constant 0 : i32
          %parallel_loop3A_495 = tpu.memref_slice %arg5[%rem3A_167, %parallel_loop3A_493, %parallel_loop3A_494] : memref<2x8x4096xf32, #tpu.memory_space<vmem>> -> memref<1x8x4096xf32, #tpu.memory_space<vmem>>
          %parallel_loop3A_496 = tpu.memref_squeeze %parallel_loop3A_495 : memref<1x8x4096xf32, #tpu.memory_space<vmem>> -> memref<8x4096xf32, #tpu.memory_space<vmem>>
          %parallel_loop3A_497 = tpu.vector_load_idx %parallel_loop3A_496[%parallel_loop3A_492, %parallel_loop3A_419] : memref<8x4096xf32, #tpu.memory_space<vmem>>[vector<16xi32>, vector<16xi32>], vector<16xf32>,
          %parallel_loop3A_498 = tpu.vector_load_idx %arg6[%parallel_loop3A_492, %parallel_loop3A_426] : memref<8x4096xf32, #tpu.memory_space<vmem>>[vector<16xi32>, vector<16xi32>], vector<16xf32>,
          %parallel_loop3A_499 = arith.mulf %parallel_loop3A_497, %parallel_loop3A_498 : vector<16xf32>
          %parallel_loop3A_500 = arith.constant 16 : i32
          %parallel_loop3A_501 = arith.muli %parallel_loop3A_412, %parallel_loop3A_500 : i32
          %parallel_loop3A_502 = arith.constant 4 : i32
          %parallel_loop3A_503 = arith.index_cast %rem3A_347 : i32 to index
          %parallel_loop3A_504 = arith.index_cast %parallel_loop3A_502 : i32 to index
          %parallel_loop3A_505 = arith.index_cast %parallel_loop3A_501 : i32 to index
          %parallel_loop3A_506 = tpu.vector_load %arg7[%parallel_loop3A_503, %parallel_loop3A_504, %parallel_loop3A_505] {strides = array<i32>} : memref<2x8x512xf32, #tpu.memory_space<vmem>>, vector<16xf32>,
          tpu.vector_store %arg7[%parallel_loop3A_503, %parallel_loop3A_504, %parallel_loop3A_505], %parallel_loop3A_499 {strides = array<i32>} : memref<2x8x512xf32, #tpu.memory_space<vmem>>, vector<16xf32>,
          %parallel_loop3A_507 = arith.constant 5 : i32
          %parallel_loop3A_508 = vector.broadcast %parallel_loop3A_507 : i32 to vector<16xi32>
          %parallel_loop3A_509 = arith.constant 0 : i32
          %parallel_loop3A_510 = arith.constant 0 : i32
          %parallel_loop3A_511 = tpu.memref_slice %arg5[%rem3A_167, %parallel_loop3A_509, %parallel_loop3A_510] : memref<2x8x4096xf32, #tpu.memory_space<vmem>> -> memref<1x8x4096xf32, #tpu.memory_space<vmem>>
          %parallel_loop3A_512 = tpu.memref_squeeze %parallel_loop3A_511 : memref<1x8x4096xf32, #tpu.memory_space<vmem>> -> memref<8x4096xf32, #tpu.memory_space<vmem>>
          %parallel_loop3A_513 = tpu.vector_load_idx %parallel_loop3A_512[%parallel_loop3A_508, %parallel_loop3A_419] : memref<8x4096xf32, #tpu.memory_space<vmem>>[vector<16xi32>, vector<16xi32>], vector<16xf32>,
          %parallel_loop3A_514 = tpu.vector_load_idx %arg6[%parallel_loop3A_508, %parallel_loop3A_426] : memref<8x4096xf32, #tpu.memory_space<vmem>>[vector<16xi32>, vector<16xi32>], vector<16xf32>,
          %parallel_loop3A_515 = arith.mulf %parallel_loop3A_513, %parallel_loop3A_514 : vector<16xf32>
          %parallel_loop3A_516 = arith.constant 16 : i32
          %parallel_loop3A_517 = arith.muli %parallel_loop3A_412, %parallel_loop3A_516 : i32
          %parallel_loop3A_518 = arith.constant 5 : i32
          %parallel_loop3A_519 = arith.index_cast %rem3A_347 : i32 to index
          %parallel_loop3A_520 = arith.index_cast %parallel_loop3A_518 : i32 to index
          %parallel_loop3A_521 = arith.index_cast %parallel_loop3A_517 : i32 to index
          %parallel_loop3A_522 = tpu.vector_load %arg7[%parallel_loop3A_519, %parallel_loop3A_520, %parallel_loop3A_521] {strides = array<i32>} : memref<2x8x512xf32, #tpu.memory_space<vmem>>, vector<16xf32>,
          tpu.vector_store %arg7[%parallel_loop3A_519, %parallel_loop3A_520, %parallel_loop3A_521], %parallel_loop3A_515 {strides = array<i32>} : memref<2x8x512xf32, #tpu.memory_space<vmem>>, vector<16xf32>,
          %parallel_loop3A_523 = arith.constant 6 : i32
          %parallel_loop3A_524 = vector.broadcast %parallel_loop3A_523 : i32 to vector<16xi32>
          %parallel_loop3A_525 = arith.constant 0 : i32
          %parallel_loop3A_526 = arith.constant 0 : i32
          %parallel_loop3A_527 = tpu.memref_slice %arg5[%rem3A_167, %parallel_loop3A_525, %parallel_loop3A_526] : memref<2x8x4096xf32, #tpu.memory_space<vmem>> -> memref<1x8x4096xf32, #tpu.memory_space<vmem>>
          %parallel_loop3A_528 = tpu.memref_squeeze %parallel_loop3A_527 : memref<1x8x4096xf32, #tpu.memory_space<vmem>> -> memref<8x4096xf32, #tpu.memory_space<vmem>>
          %parallel_loop3A_529 = tpu.vector_load_idx %parallel_loop3A_528[%parallel_loop3A_524, %parallel_loop3A_419] : memref<8x4096xf32, #tpu.memory_space<vmem>>[vector<16xi32>, vector<16xi32>], vector<16xf32>,
          %parallel_loop3A_530 = tpu.vector_load_idx %arg6[%parallel_loop3A_524, %parallel_loop3A_426] : memref<8x4096xf32, #tpu.memory_space<vmem>>[vector<16xi32>, vector<16xi32>], vector<16xf32>,
          %parallel_loop3A_531 = arith.mulf %parallel_loop3A_529, %parallel_loop3A_530 : vector<16xf32>
          %parallel_loop3A_532 = arith.constant 16 : i32
          %parallel_loop3A_533 = arith.muli %parallel_loop3A_412, %parallel_loop3A_532 : i32
          %parallel_loop3A_534 = arith.constant 6 : i32
          %parallel_loop3A_535 = arith.index_cast %rem3A_347 : i32 to index
          %parallel_loop3A_536 = arith.index_cast %parallel_loop3A_534 : i32 to index
          %parallel_loop3A_537 = arith.index_cast %parallel_loop3A_533 : i32 to index
          %parallel_loop3A_538 = tpu.vector_load %arg7[%parallel_loop3A_535, %parallel_loop3A_536, %parallel_loop3A_537] {strides = array<i32>} : memref<2x8x512xf32, #tpu.memory_space<vmem>>, vector<16xf32>,
          tpu.vector_store %arg7[%parallel_loop3A_535, %parallel_loop3A_536, %parallel_loop3A_537], %parallel_loop3A_531 {strides = array<i32>} : memref<2x8x512xf32, #tpu.memory_space<vmem>>, vector<16xf32>,
          %parallel_loop3A_539 = arith.constant 7 : i32
          %parallel_loop3A_540 = vector.broadcast %parallel_loop3A_539 : i32 to vector<16xi32>
          %parallel_loop3A_541 = arith.constant 0 : i32
          %parallel_loop3A_542 = arith.constant 0 : i32
          %parallel_loop3A_543 = tpu.memref_slice %arg5[%rem3A_167, %parallel_loop3A_541, %parallel_loop3A_542] : memref<2x8x4096xf32, #tpu.memory_space<vmem>> -> memref<1x8x4096xf32, #tpu.memory_space<vmem>>
          %parallel_loop3A_544 = tpu.memref_squeeze %parallel_loop3A_543 : memref<1x8x4096xf32, #tpu.memory_space<vmem>> -> memref<8x4096xf32, #tpu.memory_space<vmem>>
          %parallel_loop3A_545 = tpu.vector_load_idx %parallel_loop3A_544[%parallel_loop3A_540, %parallel_loop3A_419] : memref<8x4096xf32, #tpu.memory_space<vmem>>[vector<16xi32>, vector<16xi32>], vector<16xf32>,
          %parallel_loop3A_546 = tpu.vector_load_idx %arg6[%parallel_loop3A_540, %parallel_loop3A_426] : memref<8x4096xf32, #tpu.memory_space<vmem>>[vector<16xi32>, vector<16xi32>], vector<16xf32>,
          %parallel_loop3A_547 = arith.mulf %parallel_loop3A_545, %parallel_loop3A_546 : vector<16xf32>
          %parallel_loop3A_548 = arith.constant 16 : i32
          %parallel_loop3A_549 = arith.muli %parallel_loop3A_412, %parallel_loop3A_548 : i32
          %parallel_loop3A_550 = arith.constant 7 : i32
          %parallel_loop3A_551 = arith.index_cast %rem3A_347 : i32 to index
          %parallel_loop3A_552 = arith.index_cast %parallel_loop3A_550 : i32 to index
          %parallel_loop3A_553 = arith.index_cast %parallel_loop3A_549 : i32 to index
          %parallel_loop3A_554 = tpu.vector_load %arg7[%parallel_loop3A_551, %parallel_loop3A_552, %parallel_loop3A_553] {strides = array<i32>} : memref<2x8x512xf32, #tpu.memory_space<vmem>>, vector<16xf32>,
          tpu.vector_store %arg7[%parallel_loop3A_551, %parallel_loop3A_552, %parallel_loop3A_553], %parallel_loop3A_547 {strides = array<i32>} : memref<2x8x512xf32, #tpu.memory_space<vmem>>, vector<16xf32>,
        } {sc.loop_unroll_factor = 2 : i64, sc.parallel_access}
        %mul3A_393 = arith.constant 8 : i32
        %mul3A_394 = arith.muli %rem3A_167, %mul3A_393 : i32
        %mul3A_395 = arith.constant 512 : i32
        %mul3A_396 = arith.muli %scan3A_344, %mul3A_395 : i32
        %dma_start3A_397 = arith.constant 0 : i32
        %dma_start3A_398 = arith.constant 0 : i32
        %dma_start3A_399 = tpu.memref_slice %arg7[%rem3A_347, %dma_start3A_397, %dma_start3A_398] : memref<2x8x512xf32, #tpu.memory_space<vmem>> -> memref<1x8x512xf32, #tpu.memory_space<vmem>>
        %dma_start3A_400 = tpu.memref_squeeze %dma_start3A_399 : memref<1x8x512xf32, #tpu.memory_space<vmem>> -> memref<8x512xf32, #tpu.memory_space<vmem>>
        %dma_start3A_401 = tpu.memref_slice %arg4[%select_n3A_191, %mul3A_394, %mul3A_396] : memref<325x16x4096xf32, #tpu.memory_space<hbm>> -> memref<1x8x512xf32, #tpu.memory_space<hbm>>
        %dma_start3A_402 = tpu.memref_squeeze %dma_start3A_401 : memref<1x8x512xf32, #tpu.memory_space<hbm>> -> memref<8x512xf32, #tpu.memory_space<hbm>>
        %dma_start3A_403 = tpu.memref_slice %arg12[%rem3A_347] : memref<2x!tpu.dma_semaphore, #tpu.memory_space<semaphore_mem>> -> memref<1x!tpu.dma_semaphore, #tpu.memory_space<semaphore_mem>>
        %dma_start3A_404 = tpu.memref_squeeze %dma_start3A_403 : memref<1x!tpu.dma_semaphore, #tpu.memory_space<semaphore_mem>> -> memref<!tpu.dma_semaphore, #tpu.memory_space<semaphore_mem>>
        %dma_start3A_405 = tpu.memref_slice %arg4[%select_n3A_191, %mul3A_394, %mul3A_396] : memref<325x16x4096xf32, #tpu.memory_space<hbm>> -> memref<1x8x512xf32, #tpu.memory_space<hbm>>
        %dma_start3A_406 = tpu.memref_squeeze %dma_start3A_405 : memref<1x8x512xf32, #tpu.memory_space<hbm>> -> memref<8x512xf32, #tpu.memory_space<hbm>>
        %dma_start3A_407 = arith.constant 0 : i32
        %dma_start3A_408 = arith.constant 0 : i32
        %dma_start3A_409 = tpu.memref_slice %arg7[%rem3A_347, %dma_start3A_407, %dma_start3A_408] : memref<2x8x512xf32, #tpu.memory_space<vmem>> -> memref<1x8x512xf32, #tpu.memory_space<vmem>>
        %dma_start3A_410 = tpu.memref_squeeze %dma_start3A_409 : memref<1x8x512xf32, #tpu.memory_space<vmem>> -> memref<8x512xf32, #tpu.memory_space<vmem>>
        tpu.enqueue_dma source(%dma_start3A_410 : memref<8x512xf32, #tpu.memory_space<vmem>>) target(%dma_start3A_406 : memref<8x512xf32, #tpu.memory_space<hbm>>) target_semaphore(%dma_start3A_404 : memref<!tpu.dma_semaphore, #tpu.memory_space<semaphore_mem>>)
        %scan3A_411 = arith.constant 0 : i32
        scf.yield %scan3A_411 : i32
      }
      %scan3A_337 = arith.constant 8 : i32
      %eq3A_338 = arith.constant 1 : i32
      %eq3A_339 = arith.cmpi eq, %rem3A_167, %eq3A_338 : i32
      %select_n3A_340 = arith.select %eq3A_339, %select_n3A_230, %while3A_164 : i32
      %eq3A_341 = arith.constant 1 : i32
      %eq3A_342 = arith.cmpi eq, %rem3A_167, %eq3A_341 : i32
      %select_n3A_343 = arith.select %eq3A_342, %select_n3A_235, %while3A_165 : i32
      scf.yield %select_n3A_340, %select_n3A_343 : i32, i32
    }
    %dma_wait3A = arith.constant 0 : i32
    %dma_wait3A_122 = arith.constant 0 : i32
    %dma_wait3A_123 = arith.constant 0 : i32
    %dma_wait3A_124 = arith.constant 0 : i32
    %dma_wait3A_125 = arith.constant 0 : i32
    %dma_wait3A_126 = tpu.memref_slice %arg7[%dma_wait3A, %dma_wait3A_124, %dma_wait3A_125] : memref<2x8x512xf32, #tpu.memory_space<vmem>> -> memref<1x8x512xf32, #tpu.memory_space<vmem>>
    %dma_wait3A_127 = tpu.memref_squeeze %dma_wait3A_126 : memref<1x8x512xf32, #tpu.memory_space<vmem>> -> memref<8x512xf32, #tpu.memory_space<vmem>>
    %dma_wait3A_128 = arith.constant 0 : i32
    %dma_wait3A_129 = arith.constant 0 : i32
    %dma_wait3A_130 = tpu.memref_slice %arg4[%dma_wait3A_122, %dma_wait3A_128, %dma_wait3A_129] : memref<325x16x4096xf32, #tpu.memory_space<hbm>> -> memref<1x8x512xf32, #tpu.memory_space<hbm>>
    %dma_wait3A_131 = tpu.memref_squeeze %dma_wait3A_130 : memref<1x8x512xf32, #tpu.memory_space<hbm>> -> memref<8x512xf32, #tpu.memory_space<hbm>>
    %dma_wait3A_132 = tpu.memref_slice %arg12[%dma_wait3A_123] : memref<2x!tpu.dma_semaphore, #tpu.memory_space<semaphore_mem>> -> memref<1x!tpu.dma_semaphore, #tpu.memory_space<semaphore_mem>>
    %dma_wait3A_133 = tpu.memref_squeeze %dma_wait3A_132 : memref<1x!tpu.dma_semaphore, #tpu.memory_space<semaphore_mem>> -> memref<!tpu.dma_semaphore, #tpu.memory_space<semaphore_mem>>
    %dma_wait3A_134 = arith.constant 0 : i32
    %dma_wait3A_135 = arith.constant 0 : i32
    %dma_wait3A_136 = tpu.memref_slice %arg4[%dma_wait3A_122, %dma_wait3A_134, %dma_wait3A_135] : memref<325x16x4096xf32, #tpu.memory_space<hbm>> -> memref<1x8x512xf32, #tpu.memory_space<hbm>>
    %dma_wait3A_137 = tpu.memref_squeeze %dma_wait3A_136 : memref<1x8x512xf32, #tpu.memory_space<hbm>> -> memref<8x512xf32, #tpu.memory_space<hbm>>
    %dma_wait3A_138 = arith.constant 0 : i32
    %dma_wait3A_139 = arith.constant 0 : i32
    %dma_wait3A_140 = tpu.memref_slice %arg7[%dma_wait3A, %dma_wait3A_138, %dma_wait3A_139] : memref<2x8x512xf32, #tpu.memory_space<vmem>> -> memref<1x8x512xf32, #tpu.memory_space<vmem>>
    %dma_wait3A_141 = tpu.memref_squeeze %dma_wait3A_140 : memref<1x8x512xf32, #tpu.memory_space<vmem>> -> memref<8x512xf32, #tpu.memory_space<vmem>>
    tpu.wait_dma2 semaphore(%dma_wait3A_133 : memref<!tpu.dma_semaphore, #tpu.memory_space<semaphore_mem>>) src(%dma_wait3A_141 : memref<8x512xf32, #tpu.memory_space<vmem>>) dst(%dma_wait3A_137 : memref<8x512xf32, #tpu.memory_space<hbm>>)
    %dma_wait3A_142 = arith.constant 1 : i32
    %dma_wait3A_143 = arith.constant 0 : i32
    %dma_wait3A_144 = arith.constant 1 : i32
    %dma_wait3A_145 = arith.constant 0 : i32
    %dma_wait3A_146 = arith.constant 0 : i32
    %dma_wait3A_147 = tpu.memref_slice %arg7[%dma_wait3A_142, %dma_wait3A_145, %dma_wait3A_146] : memref<2x8x512xf32, #tpu.memory_space<vmem>> -> memref<1x8x512xf32, #tpu.memory_space<vmem>>
    %dma_wait3A_148 = tpu.memref_squeeze %dma_wait3A_147 : memref<1x8x512xf32, #tpu.memory_space<vmem>> -> memref<8x512xf32, #tpu.memory_space<vmem>>
    %dma_wait3A_149 = arith.constant 0 : i32
    %dma_wait3A_150 = arith.constant 0 : i32
    %dma_wait3A_151 = tpu.memref_slice %arg4[%dma_wait3A_143, %dma_wait3A_149, %dma_wait3A_150] : memref<325x16x4096xf32, #tpu.memory_space<hbm>> -> memref<1x8x512xf32, #tpu.memory_space<hbm>>
    %dma_wait3A_152 = tpu.memref_squeeze %dma_wait3A_151 : memref<1x8x512xf32, #tpu.memory_space<hbm>> -> memref<8x512xf32, #tpu.memory_space<hbm>>
    %dma_wait3A_153 = tpu.memref_slice %arg12[%dma_wait3A_144] : memref<2x!tpu.dma_semaphore, #tpu.memory_space<semaphore_mem>> -> memref<1x!tpu.dma_semaphore, #tpu.memory_space<semaphore_mem>>
    %dma_wait3A_154 = tpu.memref_squeeze %dma_wait3A_153 : memref<1x!tpu.dma_semaphore, #tpu.memory_space<semaphore_mem>> -> memref<!tpu.dma_semaphore, #tpu.memory_space<semaphore_mem>>
    %dma_wait3A_155 = arith.constant 0 : i32
    %dma_wait3A_156 = arith.constant 0 : i32
    %dma_wait3A_157 = tpu.memref_slice %arg4[%dma_wait3A_143, %dma_wait3A_155, %dma_wait3A_156] : memref<325x16x4096xf32, #tpu.memory_space<hbm>> -> memref<1x8x512xf32, #tpu.memory_space<hbm>>
    %dma_wait3A_158 = tpu.memref_squeeze %dma_wait3A_157 : memref<1x8x512xf32, #tpu.memory_space<hbm>> -> memref<8x512xf32, #tpu.memory_space<hbm>>
    %dma_wait3A_159 = arith.constant 0 : i32
    %dma_wait3A_160 = arith.constant 0 : i32
    %dma_wait3A_161 = tpu.memref_slice %arg7[%dma_wait3A_142, %dma_wait3A_159, %dma_wait3A_160] : memref<2x8x512xf32, #tpu.memory_space<vmem>> -> memref<1x8x512xf32, #tpu.memory_space<vmem>>
    %dma_wait3A_162 = tpu.memref_squeeze %dma_wait3A_161 : memref<1x8x512xf32, #tpu.memory_space<vmem>> -> memref<8x512xf32, #tpu.memory_space<vmem>>
    tpu.wait_dma2 semaphore(%dma_wait3A_154 : memref<!tpu.dma_semaphore, #tpu.memory_space<semaphore_mem>>) src(%dma_wait3A_162 : memref<8x512xf32, #tpu.memory_space<vmem>>) dst(%dma_wait3A_158 : memref<8x512xf32, #tpu.memory_space<hbm>>)
    return
  }
}

</mosaic_0001>

<sc_bundles>
// kernel: kernel.3.cloned.1.call-start
scs
__scs_entry_jumppad:
0x0: {  	(pc) =	sbr.rel $0x88, $3  }
0x1: {  	(tag) =	ssettag $0x0;
	lr =	simm.s32 $0x1  }
0x2: {  	[smem:$0x3F9F] =	sst lr;
	_ =	strace $0xD0000000  }
0x3: {  	_ = 	snop  }
0x4: {  	_ = 	snop  }
0x5: {  	_ = 	snop  }
0x6: {  	_ = 	snop  }
0x7: {  	_ = 	snop  }
__scs_overlays_trampoline_lowered:
0x8: {  	[smem:$0x3FAE] =	sst s0  }
0x9: {  	[smem:$0x3FAF] =	sst s1  }
0xa: {  	[smem:$0x3FB0] =	sst s2  }
0xb: {  	[smem:$0x3FB1] =	sst s3  }
0xc: {  	[smem:$0x3FB2] =	sst s4  }
0xd: {  	[smem:$0x3FB3] =	sst s5  }
0xe: {  	[smem:$0x3FB4] =	sst s6  }
0xf: {  	[smem:$0x3FB5] =	sst s7  }
0x10: {  	[smem:$0x3FB6] =	sst s8  }
0x11: {  	[smem:$0x3FB7] =	sst s9;
	s0 =	simm.s32 @!p0 $0x0  }
0x12: {  	s1 =	sld [smem:$0x3F9D];
	s0 =	simm.s32 @p0 $0x1  }
0x13: {  	[smem:$0x3FB8] =	sst s0;
	s0 =	simm.s32 @!p1 $0x0  }
0x14: {  	s2 =	sld [smem:$0x3F9C];
	s0 =	simm.s32 @p1 $0x1  }
0x15: {  	[smem:$0x3FB9] =	sst s0;
	s0 =	simm.s32 @!p2 $0x0  }
0x16: {  	s3 =	sld [smem:$0x3FDB];
	s0 =	simm.s32 @p2 $0x1  }
0x17: {  	s4 =	simm.s32 $0x1BF5;
	[smem:$0x3FBB] =	sst s0  }
0x18: {  	s0 =	sld [smem:$0x3F9E];
	_ =	swait.ge [sflag:s4], $0x0  }
0x19: {  	s7 =	sld [smem:$0x3F9F]  }
0x1a: {  	s8 =	sadd.s32 $0xFFFFE003, lr  }
0x1b: {  	s9 =	sadd.s32 $0xFFFFFEF7, lr;
	s5 =	simm.s32 $0xFFFFFFFF;
	p2 =	slt.u32 s8, $0xFFFFF086  }
0x1c: {  	p1 =	slt.u32 s9, $0xF7A;
	s5 =	simm.s32 @!p2 $0x0  }
0x1d: {  	s5 =	simm.s32 @p1 $0x1;
	p0 =	seq.s32 s7, s2  }
0x1e: {  	s7 =	smul.u32 @!p0 $0xF7A, s2;
	p2 =	seq.s32 @!p0 s5, $0x0  }
0x1f: {  	s9 =	smul.u32 $0xF7A, s1;
	s8 =	simm.s32 @!p0 $0x1BF5;
	p2 =	por !p2, p0  }
0x20: {  	[sflag:s8] =	ssyncset.s32 @!p0 $0xFFFFF086;
	s6 =	sadd.s32 @!p0 s3, s7;
	s7 =	simm.s32 @!p0 $0x108  }
0x21: {  	s3 =	sadd.s32 s3, s9;
	s6 =	sadd.s32 @!p0 $0x88, s6;
	s7 =	simm.s32 @p2 $0x1082  }
0x22: {  	[simem:s7], [sflag:s8] =	dma.local @!p0 [hbm:s6], $0xF7A  }
0x23: {  	s9 =	sor.u32 $0xD0000000, s2;
	s6 =	simm.s32 $0x108;
	_ =	swait.ge @!p0 [sflag:s8], $0x0  }
0x24: {  	s3 =	sadd.s32 $0x88, s3;
	s6 =	simm.s32 @!p1 $0x1082;
	[sflag:s4] =	ssyncset.s32 $0xFFFFF086  }
0x25: {  	[simem:s6], [sflag:s4] =	dma.local [hbm:s3], $0xF7A  }
0x26: {  	[smem:$0x3F9F] =	sst s1;
	(tag) =	ssettag s2;
	_ =	strace s9  }
0x27: {  	s1 =	sld [smem:$0x3FAF]  }
0x28: {  	s2 =	sld [smem:$0x3FB0]  }
0x29: {  	s4 =	sld [smem:$0x3FB2]  }
0x2a: {  	p0 =	seq.s32 s5, $0x0;
	s5 =	sld [smem:$0x3FB3]  }
0x2b: {  	s6 =	sld [smem:$0x3FB4]  }
0x2c: {  	s7 =	sld [smem:$0x3FB5]  }
0x2d: {  	s3 =	simm.s32 $0x108;
	s8 =	sld [smem:$0x3FB6]  }
0x2e: {  	s3 =	simm.s32 @!p0 $0x1082;
	s9 =	sld [smem:$0x3FB7]  }
0x2f: {  	lr =	sadd.s32 s0, s3;
	s0 =	sld [smem:$0x3FAE]  }
0x30: {  	s3 =	sld [smem:$0x3FB1]  }
0x31: {  	[smem:$0x3FBA] =	sst s10  }
0x32: {  	s10 =	sld [smem:$0x3FB8];
	_ =	sdelay $0x3  }
0x33: {  	p0 =	seq.s32 s10, $0x1;
	s10 =	sld [smem:$0x3FBA];
	_ =	sdelay $0x3  }
0x34: {  	[smem:$0x3FBA] =	sst s10  }
0x35: {  	s10 =	sld [smem:$0x3FB9];
	_ =	sdelay $0x3  }
0x36: {  	p1 =	seq.s32 s10, $0x1;
	s10 =	sld [smem:$0x3FBA];
	_ =	sdelay $0x3  }
0x37: {  	[smem:$0x3FBA] =	sst s10  }
0x38: {  	s10 =	sld [smem:$0x3FBB]  }
0x39: {  	_ = 	snop;
	(pc) =	sbr.ind lr, $3  }
0x3a: {  	_ = 	snop  }
0x3b: {  	_ = 	snop  }
0x3c: {  	p2 =	seq.s32 s10, $0x1;
	s10 =	sld [smem:$0x3FBA]  }
0x3d: {  	_ =	shalt  }
0x3e: {  	_ =	shalt  }
0x3f: {  	_ =	shalt  }
0x40: {  	_ =	shalt  }
0x41: {  	_ =	shalt  }
0x42: {  	_ =	shalt  }
0x43: {  	_ =	shalt  }
0x44: {  	_ =	shalt  }
0x45: {  	_ =	shalt  }
0x46: {  	_ =	shalt  }
0x47: {  	_ =	shalt  }
0x48: {  	_ =	shalt  }
0x49: {  	_ =	shalt  }
0x4a: {  	_ =	shalt  }
0x4b: {  	_ =	shalt  }
0x4c: {  	_ =	shalt  }
0x4d: {  	_ =	shalt  }
0x4e: {  	_ =	shalt  }
0x4f: {  	_ =	shalt  }
0x50: {  	_ =	shalt  }
0x51: {  	_ =	shalt  }
0x52: {  	_ =	shalt  }
0x53: {  	_ =	shalt  }
0x54: {  	_ =	shalt  }
0x55: {  	_ =	shalt  }
0x56: {  	_ =	shalt  }
0x57: {  	_ =	shalt  }
0x58: {  	_ =	shalt  }
0x59: {  	_ =	shalt  }
0x5a: {  	_ =	shalt  }
0x5b: {  	_ =	shalt  }
0x5c: {  	_ =	shalt  }
0x5d: {  	_ =	shalt  }
0x5e: {  	_ =	shalt  }
0x5f: {  	_ =	shalt  }
0x60: {  	_ =	shalt  }
0x61: {  	_ =	shalt  }
0x62: {  	_ =	shalt  }
0x63: {  	_ =	shalt  }
0x64: {  	_ =	shalt  }
0x65: {  	_ =	shalt  }
0x66: {  	_ =	shalt  }
0x67: {  	_ =	shalt  }
0x68: {  	_ =	shalt  }
0x69: {  	_ =	shalt  }
0x6a: {  	_ =	shalt  }
0x6b: {  	_ =	shalt  }
0x6c: {  	_ =	shalt  }
0x6d: {  	_ =	shalt  }
0x6e: {  	_ =	shalt  }
0x6f: {  	_ =	shalt  }
0x70: {  	_ =	shalt  }
0x71: {  	_ =	shalt  }
0x72: {  	_ =	shalt  }
0x73: {  	_ =	shalt  }
0x74: {  	_ =	shalt  }
0x75: {  	_ =	shalt  }
0x76: {  	_ =	shalt  }
0x77: {  	_ =	shalt  }
0x78: {  	_ =	shalt  }
0x79: {  	_ =	shalt  }
0x7a: {  	_ =	shalt  }
0x7b: {  	_ =	shalt  }
0x7c: {  	_ =	shalt  }
0x7d: {  	_ =	shalt  }
0x7e: {  	_ =	shalt  }
0x7f: {  	_ =	shalt  }
0x80: {  	_ =	shalt  }
0x81: {  	_ =	shalt  }
0x82: {  	_ =	shalt  }
0x83: {  	_ =	shalt  }
0x84: {  	_ =	shalt  }
0x85: {  	_ =	shalt  }
0x86: {  	_ =	shalt  }
0x87: {  	_ =	shalt  }
.Lfunc_end0:
.L_simem_size_0:
called_computation_lowered:
.L_overlay_start_0:
0x88: {  	s2 =	sld [smem:$0x3FD9]  }
0x89: {  	s3 =	sld [smem:$0x3FFE];
	_ =	sdelay $0x1  }
0x8a: {  	s1 =	srdreg.scid  }
0x8b: {  	s0 =	sand.u32 $0x1, s1  }
0x8c: {  	s17 =	sshll.u32 s0, $0xA;
	s2 =	sadd.s32 s3, s2  }
0x8d: {  	s2 =	sadd.s32 s2, s17  }
0x8e: {  	[smem:$0x3FC6] =	sst s2  }
0x8f: {  	_ = 	snop  }
0x90: {  	s2 =	sld [smem:$0x3FC8]  }
0x91: {  	s18 =	sld [smem:$0x3FD0];
	(tm) =	ssettm $0x1  }
0x92: {  	s4 =	sld [smem:$0x3FFB];
	_ =	sdelay $0x3  }
0x93: {  	_ =	strace s4  }
0x94: {  	s4 =	sld [smem:$0x3FFC];
	_ =	sdelay $0x3  }
0x95: {  	_ =	strace s4  }
0x96: {  	s4 =	sld [smem:$0x3FFD];
	_ =	sdelay $0x3  }
0x97: {  	_ =	strace s4  }
0x98: {  	_ =	strace $0x8FFFFFFF  }
0x99: {  	s19 =	sld [smem:$0x3FDB];
	_ =	sdelay $0x1  }
0x9a: {  	s5 =	simm.s32 $_scs_section_size  }
0x9b: {  	s6 =	simm.s32 $_size__tile_overlayer_lowered;
	s7 =	simm.s32 $_tile_overlayer_lowered  }
0x9c: {  	s22 =	simm.s32 $0x1BFF;
	s21 =	sshll.u32 s7, $0x1;
	s4 =	sadd.s32 s5, s19  }
0x9d: {  	s8 =	simm.s32 $0x0;
	s20 =	sshll.u32 s6, $0x1;
	s6 =	sadd.s32 s21, s4  }
0x9e: {  	[timem:s8], [sflag:s22] =	dma.local [hbm:s6], s20  }
0x9f: {  	_ =	swait.ge [sflag:s22], s20  }
0xa0: {  	s5 =	ssub.s32 $0x0, s20;
	[sflag:s22] =	ssyncset.done $0x0  }
0xa1: {  	[sflag:s22] =	ssyncadd.s32 s5;
	_ =	sdelay $0x1  }
0xa2: {  	s23 =	simm.s32 $0x1B8B  }
0xa3: {  	_ =	swait.ge [sflag:s23], $0x1  }
0xa4: {  	[sflag:s23] =	ssyncset.done $0x0  }
0xa5: {  	s25 =	simm.s32 $0x1B8E;
	s24 =	sld [smem:$0x3FFE];
	[sflag:s23] =	ssyncadd.s32 $0xFFFFFFFF  }
0xa6: {  	s26 =	simm.s32 $execute0_lowered;
	[smem:$0x3FD2] =	sst s25  }
0xa7: {  	s6 =	sshll.u32 s26, $0x1;
	_ =	strace $0x80000046;
	[dreg:$0x1] =	wrdreg $0xFFFFFFFF  }
0xa8: {  	s28 =	simm.s32 $_size_execute0_lowered;
	s4 =	sadd.s32 s4, s6;
	[dreg:$0x0] =	wrdreg $0x0  }
0xa9: {  	s6 =	sshll.u32 s28, $0x1;
	[dreg:$0x2] =	wrdreg s4  }
0xaa: {  	[dreg:$0x3] =	wrdreg s6  }
0xab: {  	[dreg:$0x4] =	wrdreg $0xC0  }
0xac: {  	_ =	task [dreg:s8], $0x5FFFF  }
0xad: {  	[dreg:$0x1] =	wrdreg $0xFFFFFFFF  }
0xae: {  	[dreg:$0x0] =	wrdreg $0x60  }
0xaf: {  	[dreg:$0x2] =	wrdreg s24  }
0xb0: {  	[dreg:$0x3] =	wrdreg s2  }
0xb1: {  	[dreg:$0x4] =	wrdreg s18  }
0xb2: {  	[dreg:$0x5] =	wrdreg $0x9  }
0xb3: {  	_ =	task.clear_ibuf [dreg:s8], $0x6FFFF;
	_ =	strace $0x90000046  }
0xb4: {  	s29 =	simm.s32 $0x9;
	_ =	strace $0x80000048  }
0xb5: {  	_ =	swait.ge [sflag:s29], $0x1  }
0xb6: {  	[sflag:s29] =	ssyncadd.s32 $0xFFFFFFFF  }
0xb7: {  	_ =	strace $0x90000048  }
0xb8: {  	_ =	sfence  }
0xb9: {  	s30 =	sld [smem:$0x0];
	_ =	sdelay $0x2  }
0xba: {  	s31 =	sshll.u32 s1, $0xD;
	s1 =	sshrl.u32 s1, $0x2  }
0xbb: {  	s3 =	sand.u32 $0x4000, s31;
	s1 =	sadd.s32 s1, s30  }
0xbc: {  	s0 =	sor.u32 s3, s0;
	s1 =	sshll.u32 s1, $0x11  }
0xbd: {  	s0 =	sor.u32 s1, s0  }
0xbe: {  	s0 =	sadd.s32 $0x8F2B, s0  }
0xbf: {  	[sflag:s0] =	ssyncadd.remote.s32 $0x1  }
0xc0: {  	_ =	sfence.sel $0xFFFF  }
0xc1: {  	[dreg:$0x0] =	wrdreg $0xFFFFFFFF;
	(pc) =	sbr.abs _section_cstart, $3  }
0xc2: {  	[dreg:$0x1] =	wrdreg $0xFFFFFFFF  }
0xc3: {  	_ =	task.clear_ibuf [dreg:s8], $0x2FFFF;
	_ =	strace $0x9FFFFFFF  }
0xc4: {  	(tm) =	ssettm $0x7FFFFFFF  }
0xc5: {  	_ =	shalt  }
tec
execute0_lowered:
.L_overlay_start_1:
0x0: {  	(tag) =	ssettag $0x1  }
0x1: {  	s0 =	rddreg [dreg:$0x0];
	s1 =	srdreg.scid  }
0x2: {  	s6 =	stileid.u32;
	s3 =	rddreg [dreg:$0x2]  }
0x3: {  	s4 =	simm.s32 $0x0;
	s8 =	simm.s32 $0x15;
	s14 =	simm.s32 $0x10000  }
0x4: {  	s23 =	simm.s32 $0x3;
	s1 =	sand.u32 $0x1, s1;
	s2 =	sshll.u32 s6, $0x1  }
0x5: {  	[smem:$0x7FF] =	sst s4;
	p0 =	slt.u32 s6, $0x5;
	s6 =	sadd.s32 $0x400, s0  }
0x6: {  	s2 =	sor.u32 s1, s2;
	s1 =	ssub.s32 $0x2, s1;
	_ =	strace $0x80000047  }
0x7: {  	s8 =	simm.s32 @!p0 $0x14;
	s5 =	smul.u32 $0x14, s2;
	s7 =	sshrl.u32 s1, $0x1  }
0x8: {  	s2 =	smin.u32 s2, $0xA;
	s25 =	ssub.s32 s1, s7;
	s1 =	simm.s32 $0x1  }
0x9: {  	s5 =	sadd.s32 s2, s5;
	s2 =	sand.u32 $0x1, s2;
	s0 =	smax.u32 s25, $0x1  }
0xa: {  	p6 =	seq.s32 s5, $0x0;
	p1 =	seq.s32 s2, $0x1;
	[dreg:$0x4] =	wrdreg s5  }
0xb: {  	s26 =	sadd.s32 s5, s8;
	s29 =	smul.u32 $0xC3800, s2;
	[dreg:$0x9] =	wrdreg s0  }
0xc: {  	s30 =	sshll.u32 s2, $0xF;
	p0 =	por !p6, !p1;
	[dreg:$0x5] =	wrdreg s26  }
0xd: {  	s31 =	sadd.s32 $0x1, s2;
	[dreg:$0x7] =	wrdreg s30;
	p0 =	por !p0, !p0  }
0xe: {  	s28 =	sshrl.u32 s5, $0x1;
	[dreg:$0x8] =	wrdreg s31;
	s1 =	simm.s32 @!p0 $0x0  }
0xf: {  	s2 =	simm.s32 $0x0;
	[dreg:$0x6] =	wrdreg s29;
	s9 =	ssub.s32 s28, s1  }
.LBB2_1:
0x10: {  	[dreg:$0xa] =	wrdreg s2  }
0x11: {  	p0 =	por $0x1, $0x1;
	p1 =	sge.s32 s9, $0x19;
	s2 =	simm.s32 $0x19  }
0x12: {  	s0 =	simm.s32 $0x18;
	s28 =	simm.s32 $0x0;
	p0 =	por !p0, !p1  }
0x13: {  	s1 =	simm.s32 $0x0;
	s5 =	simm.s32 $0x1;
	p0 =	por !p0, !p0  }
0x14: {  	s28 =	smov.u32 @p0 s5;
	s1 =	smov.u32 @p0 s2;
	s2 =	simm.s32 $0x1  }
.LBB2_2:
0x15: {  	s8 =	sadd.s32 s0, s1;
	s2 =	sadd.s32 $0x1, s2;
	p0 =	sne.s32 s0, $0x1  }
.Ltmp0:
0x16: {  	s0 =	sadd.s32 $0xFFFFFFFF, s0;
	s10 =	sadd.s32 $0xFFFFFFFF, s2;
	(pc) =	sbr.rel @p0 .LBB2_2-.Ltmp0, $4  }
0x17: {  	p2 =	sle.s32 s8, s9;
	p1 =	seq.s32 s10, s28  }
0x18: {  	p1 =	por !p1, !p2  }
0x19: {  	p1 =	por !p1, !p1  }
0x1a: {  	s28 =	smov.u32 @p1 s2;
	s1 =	smov.u32 @p1 s8  }
0x1b: {  	s0 =	smul.u32 $0xF06, s28  }
0x1c: {  	s1 =	ssub.s32 s9, s1  }
0x1d: {  	s1 =	sadd.s32 s1, s28;
	s2 =	sand.u32 $0x7E, s0  }
0x1e: {  	s8 =	sshra.s32 s0, $0x1F;
	p0 =	slt.s32 s0, $0x1;
	p1 =	sne.s32 s2, $0x0  }
0x1f: {  	s29 =	sadd.s32 $0x1, s1;
	s21 =	sshrl.u32 s8, $0x19;
	p0 =	por !p0, !p1  }
0x20: {  	s1 =	simm.s32 $0x1;
	s0 =	sadd.s32 s21, s0;
	p0 =	por !p0, !p0  }
0x21: {  	s22 =	smul.u32 $0x187000, s29;
	s0 =	sshrl.u32 s0, $0x7;
	s1 =	simm.s32 @!p0 $0x0  }
0x22: {  	s24 =	rddreg [dreg:$0x6];
	s0 =	ssub.s32 s0, s1  }
0x23: {  	s25 =	rddreg [dreg:$0x1];
	s1 =	sadd.s32 s24, s22;
	s0 =	sshll.u32 s0, $0xA  }
0x24: {  	s26 =	rddreg [dreg:$0x7];
	s0 =	sadd.s32 s0, s1  }
0x25: {  	s31 =	rddreg [dreg:$0x8];
	s0 =	sshrl.u32 s0, $0x3  }
0x26: {  	s30 =	rddreg [dreg:$0x4];
	s0 =	sadd.s32 s25, s0  }
0x27: {  	[tilespmem:s26], [sflag:s31] =	stream.linear.gather [hbm4b:s0+s4], $0x8000, $0x38;
	[tilespmem:$0x1A800] =	vst v63  }
.LBB2_5:
0x28: {  	s8 =	smul.u32 $0xF06, s29  }
0x29: {  	s2 =	smov.u32 s30;
	s12 =	smov.u32 s28;
	s11 =	simm.s32 $0x1  }
0x2a: {  	s13 =	smul.u32 $0x187000, s28;
	s5 =	rddreg [dreg:$0x5];
	s10 =	sand.u32 $0x7E, s8  }
0x2b: {  	s1 =	sshra.s32 s8, $0x1F;
	p0 =	slt.s32 s8, $0x1;
	p1 =	sne.s32 s10, $0x0  }
0x2c: {  	s1 =	sshrl.u32 s1, $0x19;
	s10 =	sand.u32 $0x1, s30;
	p0 =	por !p0, !p1  }
0x2d: {  	s30 =	sadd.s32 $0x1, s30;
	s1 =	sadd.s32 s1, s8;
	p0 =	por !p0, !p0  }
0x2e: {  	s15 =	smul.u32 $0xC3800, s10;
	s1 =	sshra.s32 s1, $0x7;
	s11 =	simm.s32 @!p0 $0x0  }
0x2f: {  	p0 =	seq.s32 s29, $0x19;
	s11 =	ssub.s32 s1, s11;
	s1 =	simm.s32 $0x1  }
0x30: {  	s13 =	sadd.s32 s15, s13;
	s17 =	sshll.u32 s11, $0xA;
	s1 =	simm.s32 @!p0 $0x0  }
0x31: {  	s13 =	sadd.s32 s17, s13;
	s28 =	sadd.s32 s1, s28;
	s1 =	smov.u32 s29  }
0x32: {  	p1 =	seq.s32 s10, $0x0;
	s1 =	smov.u32 @p0 s28;
	s13 =	sshrl.u32 s13, $0x3  }
0x33: {  	s28 =	smov.u32 @p1 s12;
	p0 =	sge.u32 s30, s5;
	s5 =	rddreg [dreg:$0x1]  }
0x34: {  	s13 =	sadd.s32 s5, s13;
	s15 =	smul.u32 @!p0 $0xF06, s28  }
0x35: {  	[tilespmem:s14], [sflag:$0x3] =	stream.linear.gather [hbm4b:s13+s4], $0x8000, $0x38;
	[tilespmem:$0x1A800] =	vst v63  }
0x36: {  	s0 =	smov.u32 s29;
	s29 =	sadd.s32 $0x1, s1;
	s1 =	sand.u32 @!p0 $0x7E, s15  }
0x37: {  	s29 =	smov.u32 @p1 s0;
	p1 =	slt.s32 @!p0 s15, $0x1;
	p2 =	sne.s32 @!p0 s1, $0x0  }
0x38: {  	s16 =	sxor.u32 @!p0 $0x1, s10;
	s13 =	sshra.s32 @!p0 s15, $0x1F;
	p1 =	por @!p0 !p1, !p2  }
0x39: {  	s17 =	smul.u32 @!p0 $0xC3800, s16;
	s13 =	sshrl.u32 @!p0 s13, $0x19;
	p1 =	por @!p0 !p1, !p1  }
0x3a: {  	s13 =	sadd.s32 @!p0 s13, s15;
	s15 =	simm.s32 @!p0 $0x1;
	p1 =	por !p1, p0  }
0x3b: {  	s1 =	smul.u32 @!p0 $0x187000, s29;
	s13 =	sshrl.u32 @!p0 s13, $0x7;
	s15 =	simm.s32 @p1 $0x0  }
0x3c: {  	s13 =	ssub.s32 @!p0 s13, s15  }
0x3d: {  	s20 =	simm.s32 $0x1A000;
	s1 =	sadd.s32 @!p0 s17, s1;
	s13 =	sshll.u32 @!p0 s13, $0xA  }
0x3e: {  	s22 =	simm.s32 $0x1A100;
	s31 =	sshll.u32 s12, $0xC;
	s1 =	sadd.s32 @!p0 s13, s1  }
0x3f: {  	s18 =	sshrl.u32 s31, $0x3;
	s15 =	sadd.s32 @!p0 $0x1, s16;
	s1 =	sshrl.u32 @!p0 s1, $0x3  }
0x40: {  	s13 =	sshll.u32 @!p0 s16, $0xF;
	s16 =	simm.s32 @!p0 $0x0;
	s1 =	sadd.s32 @!p0 s5, s1  }
0x41: {  	[tilespmem:s13], [sflag:s15] =	stream.linear.gather @!p0 [hbm4b:s1+s16], $0x8000, $0x38;
	[tilespmem:$0x1A800] =	vst v63  }
0x42: {  	s25 =	simm.s32 $0x1A200;
	s19 =	sadd.s32 s6, s18;
	s1 =	simm.s32 $0x0  }
0x43: {  	[tilespmem:s20], [sflag:$0x6] =	stream.linear.gather [hbm4b:s19+s1], $0x80, $0x38;
	[tilespmem:$0x1A800] =	vst v63  }
0x44: {  	s26 =	simm.s32 $0x1A300;
	s21 =	sadd.s32 $0x10, s19;
	s24 =	sadd.s32 $0x20, s19  }
0x45: {  	[tilespmem:s22], [sflag:$0x6] =	stream.linear.gather [hbm4b:s21+s1], $0x80, $0x38;
	[tilespmem:$0x1A800] =	vst v63  }
0x46: {  	s11 =	sshll.u32 s11, $0x7;
	s12 =	smul.u32 $0xF06, s12;
	s0 =	sshll.u32 s0, $0xC  }
0x47: {  	[tilespmem:s25], [sflag:$0x6] =	stream.linear.gather [hbm4b:s24+s1], $0x80, $0x38;
	[tilespmem:$0x1A800] =	vst v63  }
0x48: {  	p5 =	slt.s32 s12, $0x1;
	s7 =	sshrl.u32 s0, $0x3;
	s13 =	sadd.s32 $0x30, s19  }
0x49: {  	[tilespmem:s26], [sflag:$0x6] =	stream.linear.gather [hbm4b:s13+s1], $0x80, $0x38;
	[tilespmem:$0x1A800] =	vst v63  }
0x4a: {  	s17 =	simm.s32 $0x1A500;
	s15 =	simm.s32 $0x1A400;
	s13 =	sadd.s32 s6, s7  }
0x4b: {  	[tilespmem:s15], [sflag:$0x6] =	stream.linear.gather [hbm4b:s13+s1], $0x80, $0x38;
	[tilespmem:$0x1A800] =	vst v63  }
0x4c: {  	s19 =	simm.s32 $0x1A600;
	s22 =	sand.u32 $0x7E, s12;
	s16 =	sadd.s32 $0x10, s13  }
0x4d: {  	[tilespmem:s17], [sflag:$0x6] =	stream.linear.gather [hbm4b:s16+s1], $0x80, $0x38;
	[tilespmem:$0x1A800] =	vst v63  }
0x4e: {  	s20 =	simm.s32 $0x1A700;
	p6 =	sne.s32 s22, $0x0;
	s18 =	sadd.s32 $0x20, s13  }
0x4f: {  	[tilespmem:s19], [sflag:$0x6] =	stream.linear.gather [hbm4b:s18+s1], $0x80, $0x38;
	[tilespmem:$0x1A800] =	vst v63  }
0x50: {  	s21 =	sshra.s32 s12, $0x1F;
	p1 =	por !p5, !p6;
	s13 =	sadd.s32 $0x30, s13  }
0x51: {  	[tilespmem:s20], [sflag:$0x6] =	stream.linear.gather [hbm4b:s13+s1], $0x80, $0x38;
	[tilespmem:$0x1A800] =	vst v63  }
0x52: {  	s24 =	sadd.s32 $0x1, s10;
	p1 =	por !p1, !p1;
	s13 =	sshrl.u32 s21, $0x19  }
0x53: {  	s15 =	simm.s32 $0x1;
	s13 =	sadd.s32 s13, s12;
	_ =	swait.ge [sflag:s24], $0x8000  }
0x54: {  	s15 =	simm.s32 @!p1 $0x0;
	s13 =	sshrl.u32 s13, $0x7;
	[sflag:s24] =	ssyncset.done $0x0  }
0x55: {  	s11 =	ssub.s32 s8, s11;
	s13 =	ssub.s32 s15, s13;
	[sflag:s24] =	ssyncadd.s32 $0xFFFF8000  }
0x56: {  	s8 =	sshll.u32 s10, $0xF;
	s13 =	sshll.u32 s13, $0x7;
	_ =	swait.ge [sflag:s23], $0x8000  }
0x57: {  	s12 =	sadd.s32 s12, s13;
	[sflag:s23] =	ssyncset.done $0x0;
	s25 =	rddreg [dreg:$0x4]  }
0x58: {  	[sflag:s23] =	ssyncadd.s32 $0xFFFF8000;
	s26 =	ssub.s32 s2, s25;
	s2 =	sshll.u32 s2, $0xF  }
0x59: {  	v1 =	vmov s11;
	v0 =	vmov s12;
	s12 =	simm.s32 $0x0;
	s10 =	sshll.u32 s26, $0x3;
	s11 =	sand.u32 $0x7FFF8000, s2  }
.LBB2_6:
0x5a: {  	s13 =	sadd.s32 $0x1, s12;
	p1 =	seq.s32 s12, $0x7  }
0x5b: {  	s2 =	sshll.u32 @!p1 s13, $0x9  }
0x5c: {  	s15 =	sand.u32 @!p1 $0x1, s13;
	s16 =	sshll.u32 @!p1 s13, $0x7;
	s17 =	sadd.s32 @!p1 s31, s2  }
0x5d: {  	s19 =	simm.s32 @!p1 $0x0;
	s16 =	sand.u32 @!p1 $0x80, s16;
	s17 =	sshrl.u32 @!p1 s17, $0x3  }
0x5e: {  	s15 =	sor.u32 @!p1 $0x6, s15;
	s18 =	sor.u32 @!p1 $0x1A000, s16;
	s17 =	sadd.s32 @!p1 s6, s17  }
0x5f: {  	[tilespmem:s18], [sflag:s15] =	stream.linear.gather @!p1 [hbm4b:s17+s19], $0x80, $0x38;
	[tilespmem:$0x1A800] =	vst v63  }
0x60: {  	s20 =	sor.u32 @!p1 $0x1A100, s16;
	s18 =	sadd.s32 @!p1 $0x10, s17  }
0x61: {  	[tilespmem:s20], [sflag:s15] =	stream.linear.gather @!p1 [hbm4b:s18+s19], $0x80, $0x38;
	[tilespmem:$0x1A800] =	vst v63  }
0x62: {  	s2 =	sadd.s32 @!p1 s0, s2;
	s18 =	sadd.s32 @!p1 $0x20, s17;
	s20 =	sor.u32 @!p1 $0x1A200, s16  }
0x63: {  	[tilespmem:s20], [sflag:s15] =	stream.linear.gather @!p1 [hbm4b:s18+s19], $0x80, $0x38;
	[tilespmem:$0x1A800] =	vst v63  }
0x64: {  	s2 =	sshrl.u32 @!p1 s2, $0x3;
	s17 =	sadd.s32 @!p1 $0x30, s17;
	s18 =	sor.u32 @!p1 $0x1A300, s16  }
0x65: {  	[tilespmem:s18], [sflag:s15] =	stream.linear.gather @!p1 [hbm4b:s17+s19], $0x80, $0x38;
	[tilespmem:$0x1A800] =	vst v63  }
0x66: {  	s2 =	sadd.s32 @!p1 s6, s2;
	s17 =	sor.u32 @!p1 $0x1A400, s16  }
0x67: {  	[tilespmem:s17], [sflag:s15] =	stream.linear.gather @!p1 [hbm4b:s2+s19], $0x80, $0x38;
	[tilespmem:$0x1A800] =	vst v63  }
0x68: {  	s18 =	sor.u32 @!p1 $0x1A500, s16;
	s17 =	sadd.s32 @!p1 $0x10, s2  }
0x69: {  	[tilespmem:s18], [sflag:s15] =	stream.linear.gather @!p1 [hbm4b:s17+s19], $0x80, $0x38;
	[tilespmem:$0x1A800] =	vst v63  }
0x6a: {  	s17 =	sadd.s32 @!p1 $0x20, s2;
	s18 =	sor.u32 @!p1 $0x1A600, s16  }
0x6b: {  	[tilespmem:s18], [sflag:s15] =	stream.linear.gather @!p1 [hbm4b:s17+s19], $0x80, $0x38;
	[tilespmem:$0x1A800] =	vst v63  }
0x6c: {  	s24 =	sand.u32 $0x1, s12;
	s2 =	sadd.s32 @!p1 $0x30, s2;
	s16 =	sor.u32 @!p1 $0x1A700, s16  }
0x6d: {  	[tilespmem:s16], [sflag:s15] =	stream.linear.gather @!p1 [hbm4b:s2+s19], $0x80, $0x38;
	[tilespmem:$0x1A800] =	vst v63  }
0x6e: {  	s16 =	sor.u32 $0x6, s24  }
0x6f: {  	_ =	swait.ge [sflag:s16], $0x200  }
0x70: {  	[sflag:s16] =	ssyncset.done $0x0  }
0x71: {  	[sflag:s16] =	ssyncadd.s32 $0xFFFFFE00  }
0x72: {  	s20 =	sand.u32 $0x60, s1;
	s17 =	sadd.s32 s10, s12;
	_ =	swait.ge [sflag:s16], $0x200  }
0x73: {  	s18 =	sshll.u32 s12, $0x7;
	p1 =	slt.u32 s17, $0x2;
	[sflag:s16] =	ssyncset.done $0x0  }
0x74: {  	s19 =	simm.s32 $0x0;
	s2 =	sor.u32 @!p1 $0x4, s24;
	[sflag:s16] =	ssyncadd.s32 $0xFFFFFE00  }
0x75: {  	s15 =	sand.u32 $0x80, s18;
	s16 =	sand.u32 $0xFFFFFF00, s19;
	_ =	swait.ge @!p1 [sflag:s2], $0x1000  }
0x76: {  	s22 =	sor.u32 $0x10, s20;
	s16 =	sor.u32 s15, s16;
	[sflag:s2] =	ssyncset.done @!p1 $0x0  }
0x77: {  	s25 =	sor.u32 s22, s16;
	[sflag:s2] =	ssyncadd.s32 @!p1 $0xFFFFF000  }
0x78: {  	v2 =	vld [tilespmem:s25+$0x1A000]  }
0x79: {  	v3 =	vld [tilespmem:s25+$0x1A400];
	_ =	sdelay $0x3  }
0x7a: {  	v2 =	vadd.s32 v0, v2  }
0x7b: {  	s26 =	sor.u32 s20, s16;
	v3 =	vadd.s32 v1, v3;
	v4 =	vshll.u32 v2, $0x3  }
0x7c: {  	v5 =	vld [tilespmem:s26+$0x1A000];
	v2 =	vand.u32 $0x7F, v2;
	v6 =	vshll.u32 v3, $0x3;
	v4 =	vand.u32 $0xFFFFFC00, v4  }
0x7d: {  	v7 =	vld [tilespmem:s26+$0x1A400];
	v3 =	vand.u32 $0x7F, v3;
	v4 =	vor.u32 v2, v4;
	v2 =	vand.u32 $0xFFFFFC00, v6  }
0x7e: {  	v8 =	vor.u32 v3, v2;
	_ =	sdelay $0x2  }
0x7f: {  	v2 =	vadd.s32 v0, v5  }
0x80: {  	v3 =	vadd.s32 v1, v7;
	v5 =	vshll.u32 v2, $0x3;
	v9 =	vld.idx.msk [tilespmem:v4+s8+$0x0], $0xffff  }
0x81: {  	v2 =	vand.u32 $0x7F, v2;
	v6 =	vshll.u32 v3, $0x3;
	v5 =	vand.u32 $0xFFFFFC00, v5;
	v10 =	vld.idx.msk [tilespmem:v8+s14+$0x0], $0xffff  }
0x82: {  	v3 =	vand.u32 $0x7F, v3;
	v7 =	vand.u32 $0xFFFFFC00, v6;
	v6 =	vor.u32 v2, v5  }
0x83: {  	v7 =	vor.u32 v3, v7  }
0x84: {  	s7 =	simm.s32 $0x0;
	s5 =	sshll.u32 s24, $0xC;
	v2 =	vor.u32 $0x80, v4  }
0x85: {  	s19 =	sand.u32 $0x3FFFFC00, s7;
	s25 =	sor.u32 $0x18000, s5;
	v3 =	vor.u32 $0x80, v8  }
0x86: {  	s2 =	sadd.s32 s19, s25;
	v5 =	vmul.f32 v10, v9  }
0x87: {  	s21 =	sadd.s32 s22, s2;
	v9 =	vld.idx.msk [tilespmem:v6+s8+$0x0], $0xffff  }
0x88: {  	v10 =	vld.idx.msk [tilespmem:v7+s14+$0x0], $0xffff;
	[tilespmem:s21+$0x0] =	vst v5  }
0x89: {  	v2 =	vld.idx.msk [tilespmem:v2+s8+$0x0], $0xffff  }
0x8a: {  	v3 =	vld.idx.msk [tilespmem:v3+s14+$0x0], $0xffff  }
0x8b: {  	v5 =	vor.u32 $0x80, v6  }
0x8c: {  	v11 =	vor.u32 $0x80, v7  }
0x8d: {  	v9 =	vmul.f32 v10, v9;
	v10 =	vor.u32 $0x100, v4  }
0x8e: {  	s26 =	sadd.s32 s20, s2;
	v12 =	vor.u32 $0x100, v8  }
0x8f: {  	[tilespmem:s26+$0x0] =	vst v9;
	v2 =	vmul.f32 v3, v2  }
0x90: {  	s20 =	simm.s32 $0x40;
	s22 =	simm.s32 $0x20;
	v3 =	vld.idx.msk [tilespmem:v5+s8+$0x0], $0xffff  }
0x91: {  	s2 =	sand.u32 $0x60, s22;
	s16 =	sand.u32 $0xFFFFFF00, s20;
	v5 =	vld.idx.msk [tilespmem:v11+s14+$0x0], $0xffff;
	[tilespmem:s21+$0x80] =	vst v2  }
0x92: {  	s16 =	sor.u32 s15, s16;
	s5 =	sor.u32 $0x10, s2;
	v2 =	vld.idx.msk [tilespmem:v10+s8+$0x0], $0xffff  }
0x93: {  	s7 =	sor.u32 s5, s16;
	v9 =	vld.idx.msk [tilespmem:v12+s14+$0x0], $0xffff  }
0x94: {  	v10 =	vld [tilespmem:s7+$0x1A000]  }
0x95: {  	v11 =	vld [tilespmem:s7+$0x1A400]  }
0x96: {  	v12 =	vor.u32 $0x180, v4  }
0x97: {  	s16 =	sor.u32 s2, s16;
	v13 =	vor.u32 $0x180, v8  }
0x98: {  	v14 =	vld [tilespmem:s16+$0x1A000];
	v2 =	vmul.f32 v9, v2  }
0x99: {  	v16 =	vld [tilespmem:s16+$0x1A400];
	v15 =	vor.u32 $0x100, v7;
	v5 =	vmul.f32 v5, v3;
	v10 =	vadd.s32 v0, v10  }
0x9a: {  	v3 =	vadd.s32 v1, v11;
	v9 =	vor.u32 $0x100, v6;
	v11 =	vshll.u32 v10, $0x3;
	[tilespmem:s21+$0x100] =	vst v2  }
0x9b: {  	v2 =	vand.u32 $0x7F, v10;
	v10 =	vand.u32 $0xFFFFFC00, v11;
	v11 =	vshll.u32 v3, $0x3;
	v12 =	vld.idx.msk [tilespmem:v12+s8+$0x0], $0xffff  }
0x9c: {  	v17 =	vand.u32 $0x7F, v3;
	v3 =	vor.u32 v2, v10;
	v2 =	vand.u32 $0xFFFFFC00, v11;
	v10 =	vld.idx.msk [tilespmem:v13+s14+$0x0], $0xffff  }
0x9d: {  	v2 =	vor.u32 v17, v2  }
0x9e: {  	v18 =	vor.u32 $0x200, v8;
	[tilespmem:s26+$0x80] =	vst v5;
	v5 =	vadd.s32 v1, v16;
	v11 =	vadd.s32 v0, v14  }
0x9f: {  	v13 =	vand.u32 $0x7F, v11;
	v17 =	vor.u32 $0x200, v4;
	v16 =	vld.idx.msk [tilespmem:v9+s8+$0x0], $0xffff;
	v9 =	vshll.u32 v11, $0x3  }
0xa0: {  	v15 =	vld.idx.msk [tilespmem:v15+s14+$0x0], $0xffff;
	v11 =	vshll.u32 v5, $0x3;
	v5 =	vand.u32 $0x7F, v5;
	v9 =	vand.u32 $0xFFFFFC00, v9  }
0xa1: {  	v11 =	vand.u32 $0xFFFFFC00, v11;
	v9 =	vor.u32 v13, v9;
	v13 =	vld.idx.msk [tilespmem:v3+s8+$0x0], $0xffff;
	v10 =	vmul.f32 v10, v12  }
0xa2: {  	v14 =	vor.u32 v5, v11;
	v5 =	vld.idx.msk [tilespmem:v2+s14+$0x0], $0xffff  }
0xa3: {  	v11 =	vor.u32 $0x180, v6;
	[tilespmem:s21+$0x180] =	vst v10  }
0xa4: {  	v10 =	vor.u32 $0x180, v7;
	v12 =	vld.idx.msk [tilespmem:v17+s8+$0x0], $0xffff  }
0xa5: {  	s19 =	simm.s32 $0x100;
	v15 =	vmul.f32 v15, v16;
	v17 =	vld.idx.msk [tilespmem:v18+s14+$0x0], $0xffff  }
0xa6: {  	s16 =	sand.u32 $0x3FFFFC00, s19;
	v16 =	vor.u32 $0x80, v3;
	v18 =	vld.idx.msk [tilespmem:v9+s8+$0x0], $0xffff  }
0xa7: {  	s20 =	sadd.s32 s16, s25;
	v19 =	vor.u32 $0x80, v2;
	[tilespmem:s26+$0x100] =	vst v15;
	v15 =	vld.idx.msk [tilespmem:v14+s14+$0x0], $0xffff;
	v5 =	vmul.f32 v5, v13  }
0xa8: {  	s16 =	sadd.s32 s5, s20;
	v11 =	vld.idx.msk [tilespmem:v11+s8+$0x0], $0xffff;
	v13 =	vor.u32 $0x280, v4  }
0xa9: {  	[tilespmem:s16+$0x0] =	vst v5;
	v5 =	vld.idx.msk [tilespmem:v10+s14+$0x0], $0xffff;
	v10 =	vor.u32 $0x280, v8  }
0xaa: {  	v20 =	vor.u32 $0x80, v9;
	v12 =	vmul.f32 v17, v12  }
0xab: {  	v17 =	vor.u32 $0x80, v14;
	v16 =	vld.idx.msk [tilespmem:v16+s8+$0x0], $0xffff  }
0xac: {  	v21 =	vor.u32 $0x200, v6;
	v19 =	vld.idx.msk [tilespmem:v19+s14+$0x0], $0xffff;
	v15 =	vmul.f32 v15, v18;
	[tilespmem:s21+$0x200] =	vst v12  }
0xad: {  	s17 =	sadd.s32 s2, s20;
	v12 =	vor.u32 $0x200, v7;
	v13 =	vld.idx.msk [tilespmem:v13+s8+$0x0], $0xffff  }
0xae: {  	[tilespmem:s17+$0x0] =	vst v15;
	v5 =	vmul.f32 v5, v11;
	v10 =	vld.idx.msk [tilespmem:v10+s14+$0x0], $0xffff  }
0xaf: {  	s18 =	simm.s32 $0x40;
	s22 =	simm.s32 $0x80;
	v15 =	vor.u32 $0x100, v3;
	v11 =	vld.idx.msk [tilespmem:v20+s8+$0x0], $0xffff  }
0xb0: {  	s19 =	sand.u32 $0xFFFFFF00, s22;
	s2 =	sand.u32 $0x60, s18;
	v18 =	vor.u32 $0x100, v2;
	v17 =	vld.idx.msk [tilespmem:v17+s14+$0x0], $0xffff;
	[tilespmem:s26+$0x180] =	vst v5  }
0xb1: {  	s5 =	sor.u32 s15, s19;
	s7 =	sor.u32 $0x10, s2;
	v16 =	vmul.f32 v19, v16;
	v5 =	vld.idx.msk [tilespmem:v21+s8+$0x0], $0xffff  }
0xb2: {  	s22 =	sor.u32 s7, s5;
	v12 =	vld.idx.msk [tilespmem:v12+s14+$0x0], $0xffff  }
0xb3: {  	[tilespmem:s16+$0x80] =	vst v16;
	v16 =	vor.u32 $0x300, v4;
	v21 =	vld [tilespmem:s22+$0x1A400]  }
0xb4: {  	v19 =	vor.u32 $0x300, v8;
	v15 =	vld.idx.msk [tilespmem:v15+s8+$0x0], $0xffff;
	v10 =	vmul.f32 v10, v13  }
0xb5: {  	v18 =	vld.idx.msk [tilespmem:v18+s14+$0x0], $0xffff;
	v11 =	vmul.f32 v17, v11  }
0xb6: {  	s20 =	sor.u32 s2, s5;
	v13 =	vld [tilespmem:s22+$0x1A000];
	[tilespmem:s21+$0x280] =	vst v10  }
0xb7: {  	v20 =	vor.u32 $0x100, v9;
	[tilespmem:s17+$0x80] =	vst v11;
	v11 =	vld [tilespmem:s20+$0x1A400]  }
0xb8: {  	v10 =	vld.idx.msk [tilespmem:v16+s8+$0x0], $0xffff;
	v16 =	vor.u32 $0x180, v3  }
0xb9: {  	v22 =	vor.u32 $0x280, v6;
	v17 =	vld.idx.msk [tilespmem:v19+s14+$0x0], $0xffff;
	v19 =	vor.u32 $0x180, v2  }
0xba: {  	v23 =	vor.u32 $0x100, v14;
	v5 =	vmul.f32 v12, v5;
	v15 =	vmul.f32 v18, v15  }
0xbb: {  	v24 =	vld [tilespmem:s20+$0x1A000];
	v18 =	vor.u32 $0x280, v7;
	v12 =	vadd.s32 v0, v13;
	v13 =	vadd.s32 v1, v21  }
0xbc: {  	v20 =	vld.idx.msk [tilespmem:v20+s8+$0x0], $0xffff;
	v21 =	vand.u32 $0x7F, v12;
	v12 =	vshll.u32 v12, $0x3;
	[tilespmem:s16+$0x100] =	vst v15;
	v15 =	vor.u32 $0x380, v4  }
0xbd: {  	[tilespmem:s26+$0x200] =	vst v5;
	v5 =	vand.u32 $0x7F, v13;
	v4 =	vand.u32 $0xFFFFFC00, v12;
	v12 =	vshll.u32 v13, $0x3;
	v16 =	vld.idx.msk [tilespmem:v16+s8+$0x0], $0xffff  }
0xbe: {  	v11 =	vadd.s32 v1, v11;
	v4 =	vor.u32 v21, v4;
	v12 =	vand.u32 $0xFFFFFC00, v12;
	v13 =	vld.idx.msk [tilespmem:v19+s14+$0x0], $0xffff  }
0xbf: {  	v10 =	vmul.f32 v17, v10;
	v21 =	vld.idx.msk [tilespmem:v22+s8+$0x0], $0xffff;
	v22 =	vshll.u32 v11, $0x3;
	v5 =	vor.u32 v5, v12  }
0xc0: {  	v8 =	vor.u32 $0x380, v8;
	v19 =	vld.idx.msk [tilespmem:v23+s14+$0x0], $0xffff;
	v11 =	vand.u32 $0x7F, v11;
	v22 =	vand.u32 $0xFFFFFC00, v22  }
0xc1: {  	v17 =	vadd.s32 v0, v24;
	v23 =	vld.idx.msk [tilespmem:v18+s14+$0x0], $0xffff;
	[tilespmem:s21+$0x300] =	vst v10;
	v32 =	vor.u32 v11, v22  }
0xc2: {  	v12 =	vand.u32 $0x7F, v17;
	v17 =	vshll.u32 v17, $0x3;
	v10 =	vor.u32 $0x200, v3;
	v15 =	vld.idx.msk [tilespmem:v15+s8+$0x0], $0xffff  }
0xc3: {  	v18 =	vor.u32 $0x200, v2;
	v17 =	vand.u32 $0xFFFFFC00, v17;
	v24 =	vld.idx.msk [tilespmem:v4+s8+$0x0], $0xffff  }
0xc4: {  	v17 =	vor.u32 v12, v17;
	v12 =	vmul.f32 v13, v16;
	v11 =	vld.idx.msk [tilespmem:v5+s14+$0x0], $0xffff  }
0xc5: {  	v30 =	vor.u32 $0x300, v7;
	v25 =	vor.u32 $0x180, v9;
	v31 =	vld.idx.msk [tilespmem:v8+s14+$0x0], $0xffff  }
0xc6: {  	v37 =	vor.u32 $0x280, v3;
	v41 =	vor.u32 $0x280, v2;
	v26 =	vor.u32 $0x180, v14;
	[tilespmem:s16+$0x180] =	vst v12;
	v36 =	vld.idx.msk [tilespmem:v32+s14+$0x0], $0xffff  }
0xc7: {  	s22 =	simm.s32 $0x200;
	v22 =	vor.u32 $0x300, v6;
	v8 =	vmul.f32 v19, v20;
	v19 =	vor.u32 $0x80, v4;
	v27 =	vld.idx.msk [tilespmem:v10+s8+$0x0], $0xffff  }
0xc8: {  	s20 =	sand.u32 $0x3FFFFC00, s22;
	v28 =	vor.u32 $0x80, v5;
	v29 =	vor.u32 $0x80, v32;
	v16 =	vor.u32 $0x200, v9;
	v20 =	vld.idx.msk [tilespmem:v18+s14+$0x0], $0xffff  }
0xc9: {  	s20 =	sadd.s32 s20, s25;
	v13 =	vor.u32 $0x280, v9;
	v12 =	vor.u32 $0x280, v14;
	[tilespmem:s17+$0x100] =	vst v8;
	v35 =	vld.idx.msk [tilespmem:v17+s8+$0x0], $0xffff;
	v24 =	vmul.f32 v11, v24  }
0xca: {  	s19 =	sadd.s32 s7, s20;
	v8 =	vor.u32 $0x380, v9;
	v18 =	vor.u32 $0x200, v14;
	v10 =	vor.u32 $0x300, v9;
	v38 =	vld.idx.msk [tilespmem:v25+s8+$0x0], $0xffff  }
0xcb: {  	v9 =	vor.u32 $0x380, v14;
	v39 =	vld.idx.msk [tilespmem:v26+s14+$0x0], $0xffff;
	v11 =	vor.u32 $0x300, v14;
	v14 =	vmul.f32 v23, v21;
	[tilespmem:s19+$0x0] =	vst v24  }
0xcc: {  	v40 =	vor.u32 $0x80, v17;
	v25 =	vor.u32 $0x100, v17;
	v26 =	vor.u32 $0x200, v32;
	v33 =	vld.idx.msk [tilespmem:v19+s8+$0x0], $0xffff  }
0xcd: {  	v63 =	vmul.f32 v31, v15;
	v15 =	vor.u32 $0x300, v32;
	[tilespmem:s26+$0x280] =	vst v14;
	v14 =	vmul.f32 v20, v27;
	v34 =	vld.idx.msk [tilespmem:v28+s14+$0x0], $0xffff  }
0xce: {  	v21 =	vor.u32 $0x180, v32;
	v23 =	vor.u32 $0x280, v32;
	v24 =	vor.u32 $0x100, v32;
	v28 =	vld.idx.msk [tilespmem:v22+s8+$0x0], $0xffff  }
0xcf: {  	v20 =	vor.u32 $0x180, v17;
	v27 =	vor.u32 $0x200, v17;
	v35 =	vmul.f32 v36, v35;
	v30 =	vld.idx.msk [tilespmem:v30+s14+$0x0], $0xffff;
	[tilespmem:s16+$0x200] =	vst v14  }
0xd0: {  	s20 =	sadd.s32 s2, s20;
	v36 =	vmul.f32 v39, v38;
	v22 =	vor.u32 $0x280, v17;
	v19 =	vor.u32 $0x380, v17;
	v31 =	vld.idx.msk [tilespmem:v37+s8+$0x0], $0xffff  }
0xd1: {  	v14 =	vor.u32 $0x300, v17;
	v17 =	vor.u32 $0x380, v32;
	[tilespmem:s20+$0x0] =	vst v35;
	v32 =	vld.idx.msk [tilespmem:v41+s14+$0x0], $0xffff;
	v37 =	vor.u32 $0x100, v4  }
0xd2: {  	s22 =	simm.s32 $0x4;
	v7 =	vor.u32 $0x380, v7;
	v6 =	vor.u32 $0x380, v6;
	[tilespmem:s21+$0x380] =	vst v63;
	v38 =	vor.u32 $0x100, v5;
	v35 =	vld.idx.msk [tilespmem:v40+s8+$0x0], $0xffff  }
.LBB2_7:
0xd3: {  	s22 =	sadd.s32 $0x2, s22;
	v29 =	vld.idx.msk [tilespmem:v29+s14+$0x0], $0xffff;
	v33 =	vmul.f32 v34, v33;
	[tilespmem:s17+$0x180] =	vst v36  }
0xd4: {  	s18 =	sadd.s32 $0x20, s18;
	s2 =	sshll.u32 s22, $0x5;
	p1 =	slt.u32 s22, $0x1E;
	v34 =	vld.idx.msk [tilespmem:v16+s8+$0x0], $0xffff;
	v16 =	vmov v27  }
0xd5: {  	s21 =	sand.u32 $0x60, s18;
	v28 =	vmul.f32 v30, v28;
	s2 =	sand.u32 $0xFFFFFF00, s2;
	[tilespmem:s19+$0x80] =	vst v33;
	v27 =	vld.idx.msk [tilespmem:v18+s14+$0x0], $0xffff;
	v33 =	vor.u32 $0x300, v3;
	v18 =	vmov v26  }
0xd6: {  	v30 =	vor.u32 $0x300, v2;
	s7 =	sor.u32 s15, s2;
	s2 =	sor.u32 $0x10, s21;
	v26 =	vld.idx.msk [tilespmem:v37+s8+$0x0], $0xffff  }
0xd7: {  	v31 =	vmul.f32 v32, v31;
	s5 =	sor.u32 s21, s7;
	s7 =	sor.u32 s2, s7;
	v36 =	vld.idx.msk [tilespmem:v38+s14+$0x0], $0xffff;
	[tilespmem:s26+$0x300] =	vst v28  }
0xd8: {  	v28 =	vld [tilespmem:s7+$0x1A000]  }
0xd9: {  	v29 =	vmul.f32 v29, v35;
	v32 =	vld [tilespmem:s7+$0x1A400];
	[tilespmem:s16+$0x280] =	vst v31  }
0xda: {  	v31 =	vld.idx.msk [tilespmem:v33+s8+$0x0], $0xffff  }
0xdb: {  	v27 =	vmul.f32 v27, v34;
	[tilespmem:s20+$0x80] =	vst v29;
	v29 =	vor.u32 $0x180, v4;
	v30 =	vld.idx.msk [tilespmem:v30+s14+$0x0], $0xffff  }
0xdc: {  	v34 =	vor.u32 $0x180, v5;
	v33 =	vld [tilespmem:s5+$0x1A000]  }
0xdd: {  	v26 =	vmul.f32 v36, v26;
	v35 =	vld [tilespmem:s5+$0x1A400];
	v28 =	vadd.s32 v0, v28;
	[tilespmem:s17+$0x200] =	vst v27  }
0xde: {  	v27 =	vadd.s32 v1, v32;
	v32 =	vand.u32 $0x7F, v28;
	v36 =	vld.idx.msk [tilespmem:v25+s8+$0x0], $0xffff  }
0xdf: {  	v25 =	vshll.u32 v28, $0x3;
	v28 =	vand.u32 $0x7F, v27;
	v37 =	vld.idx.msk [tilespmem:v24+s14+$0x0], $0xffff;
	[tilespmem:s19+$0x100] =	vst v26;
	v24 =	vor.u32 $0x380, v3;
	v3 =	vmovc v4  }
0xe0: {  	v4 =	vand.u32 $0xFFFFFC00, v25;
	v25 =	vshll.u32 v27, $0x3;
	v27 =	vor.u32 $0x380, v2;
	v2 =	vmovc v5;
	v26 =	vld.idx.msk [tilespmem:v29+s8+$0x0], $0xffff  }
0xe1: {  	v4 =	vor.u32 v32, v4;
	v5 =	vand.u32 $0xFFFFFC00, v25;
	v25 =	vmul.f32 v30, v31;
	v32 =	vld.idx.msk [tilespmem:v34+s14+$0x0], $0xffff  }
0xe2: {  	v29 =	vadd.s32 v0, v33;
	v5 =	vor.u32 v28, v5;
	v30 =	vadd.s32 v1, v35;
	v28 =	vld.idx.msk [tilespmem:v13+s8+$0x0], $0xffff  }
0xe3: {  	v31 =	vand.u32 $0x7F, v29;
	v29 =	vshll.u32 v29, $0x3;
	v13 =	vmovc v22;
	v33 =	vshll.u32 v30, $0x3;
	v34 =	vld.idx.msk [tilespmem:v12+s14+$0x0], $0xffff;
	[tilespmem:s16+$0x300] =	vst v25;
	v12 =	vmovc v23  }
0xe4: {  	v22 =	vand.u32 $0xFFFFFC00, v29;
	v23 =	vand.u32 $0x7F, v30;
	v25 =	vand.u32 $0xFFFFFC00, v33;
	v30 =	vld.idx.msk [tilespmem:v24+s8+$0x0], $0xffff  }
0xe5: {  	v35 =	vor.u32 $0x200, v3;
	v31 =	vor.u32 v31, v22;
	v33 =	vor.u32 v23, v25;
	v38 =	vld.idx.msk [tilespmem:v27+s14+$0x0], $0xffff  }
0xe6: {  	v41 =	vor.u32 $0x200, v2;
	v39 =	vor.u32 $0x80, v31;
	v29 =	vor.u32 $0x80, v33;
	v40 =	vld.idx.msk [tilespmem:v4+s8+$0x0], $0xffff  }
0xe7: {  	v25 =	vor.u32 $0x100, v31;
	v24 =	vor.u32 $0x100, v33;
	v23 =	vmul.f32 v32, v26;
	v42 =	vld.idx.msk [tilespmem:v5+s14+$0x0], $0xffff  }
0xe8: {  	v36 =	vmul.f32 v37, v36;
	v32 =	vor.u32 $0x180, v31;
	v43 =	vor.u32 $0x180, v33;
	v37 =	vld.idx.msk [tilespmem:v6+s8+$0x0], $0xffff;
	v6 =	vmovc v8;
	v8 =	vmovc v19  }
0xe9: {  	v27 =	vor.u32 $0x200, v31;
	v22 =	vor.u32 $0x280, v31;
	v26 =	vor.u32 $0x200, v33;
	[tilespmem:s19+$0x180] =	vst v23;
	v44 =	vld.idx.msk [tilespmem:v7+s14+$0x0], $0xffff;
	v7 =	vmovc v9;
	v9 =	vmovc v17  }
0xea: {  	v45 =	vor.u32 $0x300, v31;
	v28 =	vmul.f32 v34, v28;
	v23 =	vor.u32 $0x280, v33;
	[tilespmem:s20+$0x100] =	vst v36;
	v35 =	vld.idx.msk [tilespmem:v35+s8+$0x0], $0xffff  }
0xeb: {  	s5 =	sshll.u32 s22, $0x7;
	v34 =	vor.u32 $0x80, v4;
	v36 =	vor.u32 $0x300, v33;
	v30 =	vmul.f32 v38, v30;
	v41 =	vld.idx.msk [tilespmem:v41+s14+$0x0], $0xffff  }
0xec: {  	s5 =	sand.u32 $0x3FFFFC00, s5;
	v19 =	vor.u32 $0x380, v31;
	v17 =	vor.u32 $0x380, v33;
	v38 =	vld.idx.msk [tilespmem:v31+s8+$0x0], $0xffff;
	v31 =	vor.u32 $0x80, v5;
	[tilespmem:s17+$0x280] =	vst v28  }
0xed: {  	s5 =	sadd.s32 s5, s25;
	v28 =	vmul.f32 v42, v40;
	v46 =	vld.idx.msk [tilespmem:v33+s14+$0x0], $0xffff;
	[tilespmem:s16+$0x380] =	vst v30;
	s16 =	smov.u32 s19  }
0xee: {  	s7 =	sadd.s32 s21, s5;
	s19 =	sadd.s32 s2, s5;
	v40 =	vld.idx.msk [tilespmem:v20+s8+$0x0], $0xffff;
	v20 =	vmov v32  }
0xef: {  	v42 =	vor.u32 $0x280, v3;
	[tilespmem:s19+$0x0] =	vst v28;
	v32 =	vld.idx.msk [tilespmem:v21+s14+$0x0], $0xffff;
	v28 =	vmul.f32 v44, v37;
	v21 =	vmov v43  }
0xf0: {  	v43 =	vor.u32 $0x280, v2;
	v33 =	vld.idx.msk [tilespmem:v34+s8+$0x0], $0xffff  }
0xf1: {  	v30 =	vmul.f32 v41, v35;
	v34 =	vld.idx.msk [tilespmem:v31+s14+$0x0], $0xffff;
	[tilespmem:s26+$0x380] =	vst v28;
	s26 =	smov.u32 s17;
	s17 =	smov.u32 s20;
	s20 =	smov.u32 s7  }
.Ltmp1:
0xf2: {  	v28 =	vld.idx.msk [tilespmem:v10+s8+$0x0], $0xffff;
	v10 =	vmov v14;
	v14 =	vmov v45;
	(pc) =	sbr.rel @p1 .LBB2_7-.Ltmp1, $4  }
0xf3: {  	v35 =	vmul.f32 v46, v38;
	[tilespmem:s16+$0x200] =	vst v30;
	v30 =	vld.idx.msk [tilespmem:v11+s14+$0x0], $0xffff;
	v11 =	vmov v15;
	v15 =	vmov v36  }
0xf4: {  	v31 =	vld.idx.msk [tilespmem:v42+s8+$0x0], $0xffff  }
0xf5: {  	v37 =	vor.u32 $0x100, v4;
	v36 =	vmul.f32 v32, v40;
	[tilespmem:s20+$0x0] =	vst v35;
	v32 =	vld.idx.msk [tilespmem:v43+s14+$0x0], $0xffff  }
0xf6: {  	v38 =	vor.u32 $0x100, v5;
	v35 =	vld.idx.msk [tilespmem:v39+s8+$0x0], $0xffff  }
0xf7: {  	_ =	sdelay $0x3  }
0xf8: {  	v29 =	vld.idx.msk [tilespmem:v29+s14+$0x0], $0xffff;
	_ =	sdelay $0x2  }
0xf9: {  	v33 =	vmul.f32 v34, v33;
	_ =	sdelay $0x1  }
0xfa: {  	[tilespmem:s19+$0x80] =	vst v33;
	v29 =	vmul.f32 v29, v35  }
0xfb: {  	v33 =	vld.idx.msk [tilespmem:v37+s8+$0x0], $0xffff  }
0xfc: {  	v40 =	vld.idx.msk [tilespmem:v38+s14+$0x0], $0xffff;
	[tilespmem:s20+$0x80] =	vst v29  }
0xfd: {  	v25 =	vld.idx.msk [tilespmem:v25+s8+$0x0], $0xffff  }
0xfe: {  	v24 =	vld.idx.msk [tilespmem:v24+s14+$0x0], $0xffff  }
0xff: {  	v41 =	vor.u32 $0x180, v4  }
0x100: {  	v42 =	vor.u32 $0x180, v5  }
0x101: {  	v33 =	vmul.f32 v40, v33;
	_ =	sdelay $0x1  }
0x102: {  	[tilespmem:s19+$0x100] =	vst v33;
	v24 =	vmul.f32 v24, v25  }
0x103: {  	v29 =	vld.idx.msk [tilespmem:v41+s8+$0x0], $0xffff  }
0x104: {  	v33 =	vld.idx.msk [tilespmem:v42+s14+$0x0], $0xffff;
	[tilespmem:s20+$0x100] =	vst v24  }
0x105: {  	v20 =	vld.idx.msk [tilespmem:v20+s8+$0x0], $0xffff  }
0x106: {  	v21 =	vld.idx.msk [tilespmem:v21+s14+$0x0], $0xffff  }
0x107: {  	v43 =	vor.u32 $0x200, v4;
	[tilespmem:s17+$0x180] =	vst v36  }
0x108: {  	v44 =	vor.u32 $0x200, v5;
	v16 =	vld.idx.msk [tilespmem:v16+s8+$0x0], $0xffff  }
0x109: {  	v18 =	vld.idx.msk [tilespmem:v18+s14+$0x0], $0xffff;
	v29 =	vmul.f32 v33, v29;
	_ =	sdelay $0x1  }
0x10a: {  	[tilespmem:s19+$0x180] =	vst v29;
	v20 =	vmul.f32 v21, v20  }
0x10b: {  	v24 =	vld.idx.msk [tilespmem:v43+s8+$0x0], $0xffff  }
0x10c: {  	v25 =	vld.idx.msk [tilespmem:v44+s14+$0x0], $0xffff;
	[tilespmem:s20+$0x180] =	vst v20  }
0x10d: {  	v16 =	vmul.f32 v18, v16;
	v27 =	vld.idx.msk [tilespmem:v27+s8+$0x0], $0xffff  }
0x10e: {  	v26 =	vld.idx.msk [tilespmem:v26+s14+$0x0], $0xffff  }
0x10f: {  	v48 =	vor.u32 $0x280, v4;
	[tilespmem:s17+$0x200] =	vst v16  }
0x110: {  	v49 =	vor.u32 $0x280, v5;
	v13 =	vld.idx.msk [tilespmem:v13+s8+$0x0], $0xffff  }
0x111: {  	v12 =	vld.idx.msk [tilespmem:v12+s14+$0x0], $0xffff;
	v50 =	vmul.f32 v25, v24;
	_ =	sdelay $0x1  }
0x112: {  	[tilespmem:s19+$0x200] =	vst v50;
	v53 =	vmul.f32 v26, v27  }
0x113: {  	v20 =	vld.idx.msk [tilespmem:v48+s8+$0x0], $0xffff  }
0x114: {  	v59 =	vmul.f32 v30, v28;
	v52 =	vld.idx.msk [tilespmem:v49+s14+$0x0], $0xffff;
	[tilespmem:s20+$0x200] =	vst v53  }
0x115: {  	v46 =	vor.u32 $0x300, v2;
	v12 =	vmul.f32 v12, v13;
	v22 =	vld.idx.msk [tilespmem:v22+s8+$0x0], $0xffff  }
0x116: {  	v45 =	vor.u32 $0x300, v3;
	[tilespmem:s26+$0x300] =	vst v59;
	v23 =	vld.idx.msk [tilespmem:v23+s14+$0x0], $0xffff  }
0x117: {  	v54 =	vor.u32 $0x300, v4;
	v47 =	vmul.f32 v32, v31;
	v6 =	vld.idx.msk [tilespmem:v6+s8+$0x0], $0xffff;
	[tilespmem:s17+$0x280] =	vst v12  }
0x118: {  	v55 =	vor.u32 $0x300, v5;
	v10 =	vld.idx.msk [tilespmem:v10+s8+$0x0], $0xffff  }
0x119: {  	[tilespmem:s16+$0x280] =	vst v47;
	v11 =	vld.idx.msk [tilespmem:v11+s14+$0x0], $0xffff;
	v16 =	vmul.f32 v52, v20  }
0x11a: {  	v51 =	vld.idx.msk [tilespmem:v46+s14+$0x0], $0xffff  }
0x11b: {  	v21 =	vld.idx.msk [tilespmem:v45+s8+$0x0], $0xffff;
	[tilespmem:s19+$0x280] =	vst v16;
	v58 =	vmul.f32 v23, v22  }
0x11c: {  	v56 =	vld.idx.msk [tilespmem:v54+s8+$0x0], $0xffff  }
0x11d: {  	v57 =	vld.idx.msk [tilespmem:v55+s14+$0x0], $0xffff;
	[tilespmem:s20+$0x280] =	vst v58  }
0x11e: {  	v3 =	vor.u32 $0x380, v3;
	v10 =	vmul.f32 v11, v10;
	v14 =	vld.idx.msk [tilespmem:v14+s8+$0x0], $0xffff  }
0x11f: {  	v2 =	vor.u32 $0x380, v2;
	v15 =	vld.idx.msk [tilespmem:v15+s14+$0x0], $0xffff  }
0x120: {  	v60 =	vor.u32 $0x380, v4;
	v7 =	vld.idx.msk [tilespmem:v7+s14+$0x0], $0xffff;
	[tilespmem:s17+$0x300] =	vst v10;
	v18 =	vmul.f32 v51, v21  }
0x121: {  	v61 =	vor.u32 $0x380, v5;
	v8 =	vld.idx.msk [tilespmem:v8+s8+$0x0], $0xffff  }
0x122: {  	v9 =	vld.idx.msk [tilespmem:v9+s14+$0x0], $0xffff;
	[tilespmem:s16+$0x300] =	vst v18;
	v12 =	vmul.f32 v57, v56  }
0x123: {  	v3 =	vld.idx.msk [tilespmem:v3+s8+$0x0], $0xffff  }
0x124: {  	v2 =	vld.idx.msk [tilespmem:v2+s14+$0x0], $0xffff;
	[tilespmem:s19+$0x300] =	vst v12;
	v62 =	vmul.f32 v15, v14  }
0x125: {  	v4 =	vld.idx.msk [tilespmem:v60+s8+$0x0], $0xffff  }
0x126: {  	v5 =	vld.idx.msk [tilespmem:v61+s14+$0x0], $0xffff;
	[tilespmem:s20+$0x300] =	vst v62  }
0x127: {  	v10 =	vld.idx.msk [tilespmem:v19+s8+$0x0], $0xffff  }
0x128: {  	v63 =	vld.idx.msk [tilespmem:v17+s14+$0x0], $0xffff  }
0x129: {  	v2 =	vmul.f32 v2, v3  }
0x12a: {  	v3 =	vmul.f32 v7, v6  }
0x12b: {  	p1 =	seq.s32 s13, $0x8;
	[tilespmem:s16+$0x380] =	vst v2;
	v2 =	vmul.f32 v5, v4  }
.Ltmp2:
0x12c: {  	s2 =	sshll.u32 s12, $0xC;
	[tilespmem:s26+$0x380] =	vst v3;
	v3 =	vmul.f32 v9, v8;
	(pc) =	sbr.rel @!p1 .LBB2_6-.Ltmp2, $4  }
0x12d: {  	s2 =	sadd.s32 s11, s2;
	[tilespmem:s19+$0x380] =	vst v2;
	v2 =	vmul.f32 v63, v10  }
0x12e: {  	s2 =	sshrl.u32 s2, $0x3;
	[tilespmem:s17+$0x380] =	vst v3  }
0x12f: {  	s5 =	sor.u32 $0x4, s24;
	s12 =	smov.u32 s13;
	s2 =	sadd.s32 s3, s2;
	[tilespmem:s20+$0x380] =	vst v2  }
0x130: {  	[hbm4b:s2+s4] =	stream.linear.scatter [tilespmem:s25], [sflag:s5], $0x1000, $0x38;
	[tilespmem:$0x1A800] =	vst v63  }
.Ltmp3:
0x131: {  	(pc) =	sbr.rel @!p0 .LBB2_5-.Ltmp3, $1  }
0x132: {  	_ =	sdelay $0x3  }
0x133: {  	s0 =	simm.s32 $0x4  }
0x134: {  	_ =	swait.ge [sflag:s0], $0x1000  }
0x135: {  	[sflag:s0] =	ssyncset.done $0x0  }
0x136: {  	s1 =	simm.s32 $0x5;
	[sflag:s0] =	ssyncadd.s32 $0xFFFFF000  }
0x137: {  	_ =	swait.ge [sflag:s1], $0x1000  }
0x138: {  	s2 =	rddreg [dreg:$0xa]  }
0x139: {  	s31 =	rddreg [dreg:$0x9];
	s2 =	sadd.s32 $0x1, s2  }
0x13a: {  	p0 =	sne.s32 s2, s31  }
.Ltmp4:
0x13b: {  	_ = 	snop;
	(pc) =	sbr.rel @p0 .LBB2_1-.Ltmp4, $3  }
0x13c: {  	_ =	sdelay $0x1  }
0x13d: {  	[sflag:s1] =	ssyncset.done $0x0  }
0x13e: {  	[sflag:s1] =	ssyncadd.s32 $0xFFFFF000  }
0x13f: {  	_ =	sfence.sel $0x180000  }
0x140: {  	[bflag:$0x0] =	sbarrier.arrive $0xFFFF  }
0x141: {  	_ =	strace $0x90000047  }
0x142: {  	s0 =	stileid.u32;
	[bflag:$0x2] =	sbarrier.arrive $0xFFFF  }
0x143: {  	p0 =	sne.s32 s0, $0x0;
	s0 =	rddreg [dreg:$0x3]  }
0x144: {  	s0 =	sadd.s32 @!p0 $0x100000, s0  }
0x145: {  	[sflag:s0] =	ssyncadd.tile.s32 @!p0 $0x1;
	_ =	shalt  }
.Lfunc_end2:
_tile_overlayer_lowered:
.L_overlay_start_2:
0x146: {  	(tag) =	ssettag $0x2  }
0x147: {  	s0 =	rddreg [dreg:$0x0];
	s2 =	stileid.u32  }
0x148: {  	s1 =	rddreg [dreg:$0x1];
	p0 =	sne.s32 s2, $0x0  }
0x149: {  	s3 =	rddreg [dreg:$0x2];
	[bflag:$0x3] =	sbarrier.arrive $0xFFFF;
	s2 =	simm.s32 @!p0 $0x1C08  }
0x14a: {  	[timem:s3], [sflag:s2] =	dma.local @!p0 [hbm:s0], s1  }
0x14b: {  	s0 =	simm.s32 @!p0 $0x8  }
0x14c: {  	_ =	swait.ge @!p0 [sflag:s0], s1  }
0x14d: {  	s1 =	ssub.s32 @!p0 $0x0, s1;
	[sflag:s0] =	ssyncset.done @!p0 $0x0  }
0x14e: {  	[sflag:s0] =	ssyncadd.s32 @!p0 s1  }
0x14f: {  	[bflag:$0x3] =	sbarrier.arrive $0xFFFF  }
0x150: {  	_ =	shalt  }

</sc_bundles>
